<compile_context>
chip_gen: v7x
topology: tpu7x:2x2x1
jax: 0.10.2.dev20260603
libtpu: 0.0.44.dev20260713+nightly
codegen_flags: <defaults>
</compile_context>

<pallas_src>
import functools

import jax
import jax.numpy as jnp
import numpy as np
from jax import lax
from jax.experimental import pallas as pl
from jax.experimental.pallas import tpu as pltpu
from jax.experimental.pallas import tpu_sc as plsc

B = 4096
F = 26
V = 1000000
E = 16
D = 4
H1 = 512
H2 = 128
EMB = F * E

NC = 2
NS = 16
NW = NC * NS
BF = B * F
CHUNK = 128
NCHUNK = BF // (NW * CHUNK)

TB = 512
NT = B // TB


NSLAB = 4
NGRAN = NSLAB * B * 128 // E


def _gather_body(idx_hbm, d0_hbm, table_hbm, out_hbm, idx_v, didx_v, rows_v,
                 sem):
    c = lax.axis_index("c")
    s = lax.axis_index("s")
    wid = s * NC + c
    pltpu.sync_copy(idx_hbm.at[wid], idx_v)
    pltpu.sync_copy(d0_hbm, didx_v)
    woff = lax.shift_left(wid, 12)
    def remap(t, carry):
        j = t // 8
        k = t % 8
        v = idx_v[j, pl.ds(k * 16, 16)]
        p = (lax.shift_left(lax.shift_right_logical(v, 10), 10)
             + lax.shift_left(lax.bitwise_and(v, 127), 3)
             + lax.bitwise_and(lax.shift_right_logical(v, 7), 7))
        idx_v[j, pl.ds(k * 16, 16)] = p
        didx_v[j, pl.ds(k * 16, 16)] = didx_v[j, pl.ds(k * 16, 16)] + woff
        return carry
    lax.fori_loop(0, NCHUNK * 8, remap, 0)
    for j in range(NCHUNK):
        pltpu.async_copy(table_hbm.at[idx_v.at[j]], rows_v.at[j], sem)
    def drain(j, carry):
        pltpu.make_async_copy(table_hbm.at[idx_v.at[0]], rows_v.at[0], sem).wait()
        return carry
    lax.fori_loop(0, NCHUNK, drain, 0)
    for j in range(NCHUNK):
        pltpu.async_copy(rows_v.at[j], out_hbm.at[didx_v.at[j]], sem)
    def drain2(j, carry):
        pltpu.make_async_copy(rows_v.at[0], out_hbm.at[didx_v.at[0]], sem).wait()
        return carry
    lax.fori_loop(0, NCHUNK, drain2, 0)


@functools.partial(jax.jit, static_argnums=())
def _sc_gather(idx, d0, table):
    run = pl.kernel(
        _gather_body,
        out_type=jax.ShapeDtypeStruct((NGRAN, E), jnp.float32),
        mesh=plsc.VectorSubcoreMesh(
            core_axis_name="c", subcore_axis_name="s",
            num_cores=NC, num_subcores=NS),
        scratch_types=[
            pltpu.VMEM((NCHUNK, CHUNK), jnp.int32),
            pltpu.VMEM((NCHUNK, CHUNK), jnp.int32),
            pltpu.VMEM((NCHUNK, CHUNK, E), jnp.float32),
            pltpu.SemaphoreType.DMA,
        ],
        compiler_params=pltpu.CompilerParams(use_tc_tiling_on_sc=False),
    )
    return run(idx, d0, table)


TCOLS = 65536
TGRID = -(-V // TCOLS)


def _tr_body(tt_ref, out_ref):
    v = tt_ref[...]
    for gg in range(TCOLS // 1024):
        m = jnp.concatenate(
            [v[:, (8 * gg + a) * 128:(8 * gg + a + 1) * 128]
             for a in range(8)], axis=0)
        out_ref[gg * 128:(gg + 1) * 128, :] = m.T


def _tc_transpose(tableT):
    return pl.pallas_call(
        _tr_body,
        grid=(TGRID,),
        in_specs=[pl.BlockSpec((E, TCOLS), lambda i: (0, i))],
        out_specs=pl.BlockSpec((TCOLS * E // 128, 128), lambda i: (i, 0)),
        out_shape=jax.ShapeDtypeStruct((TGRID * TCOLS * E // 128, 128),
                                       jnp.float32),
        compiler_params=pltpu.CompilerParams(
            dimension_semantics=("arbitrary",)),
    )(tableT)


def _mlp_body(emb_ref, did_ref, dt_ref, W1e_ref, W1d_ref, b1_ref, W2_ref,
              b2_ref, W3r_ref, b3r_ref, Wd1_ref, bd1_ref, Wd2_ref, bd2_ref,
              Wo_ref, bo_ref, out_ref):
    did = did_ref[0, 0, :]
    onehot = (did[:, None] ==
              lax.broadcasted_iota(jnp.int32, (TB, D), 1)).astype(jnp.float32)
    dt = dt_ref[...]
    wh = jnp.maximum(dt @ Wd1_ref[...] + bd1_ref[...], 0.0)
    wh = jnp.maximum(wh @ Wd2_ref[...] + bd2_ref[...], 0.0)
    logits = wh @ Wo_ref[...] + bo_ref[...]
    m = jnp.max(logits, axis=1, keepdims=True)
    ex = jnp.exp(logits - m)
    wtab = ex / jnp.sum(ex, axis=1, keepdims=True)
    wt = onehot @ wtab

    blk = emb_ref[...]
    emb = jnp.concatenate(
        [blk[:, t].reshape(TB, 128) for t in range(NSLAB)], axis=1)
    embh = emb[:, :EMB].astype(jnp.bfloat16)
    total = jnp.zeros((TB,), jnp.float32)
    for d in range(D):
        dtab = dt @ W1d_ref[d] + b1_ref[d]
        h1 = jnp.maximum(
            jnp.dot(embh, W1e_ref[d].astype(jnp.bfloat16),
                    preferred_element_type=jnp.float32)
            + onehot @ dtab, 0.0)
        h2 = jnp.maximum(
            jnp.dot(h1.astype(jnp.bfloat16), W2_ref[d].astype(jnp.bfloat16),
                    preferred_element_type=jnp.float32)
            + b2_ref[d], 0.0)
        o = jnp.sum(h2 * W3r_ref[d], axis=1) + b3r_ref[d]
        total = total + o * wt[:, d]
    out_ref[0, 0, :] = 1.0 / (1.0 + jnp.exp(-total))


def _tc_mlp(emb, did3, domain_table, W1e, W1d, b1, W2, b2, W3r, b3r,
            Wd1, bd1, Wd2, bd2, Wo, bo):
    full = lambda *shape: pl.BlockSpec(shape, lambda i: (0,) * len(shape))
    out = pl.pallas_call(
        _mlp_body,
        grid=(NT,),
        in_specs=[
            pl.BlockSpec((TB // 8, NSLAB, 8, 128), lambda i: (i, 0, 0, 0)),
            pl.BlockSpec((1, 1, TB), lambda i: (i, 0, 0)),
            full(D, E),
            full(D, EMB, H1),
            full(D, E, H1),
            full(D, H1),
            full(D, H1, H2),
            full(D, H2),
            full(D, H2),
            full(D),
            full(E, 64),
            full(64),
            full(64, D),
            full(D),
            full(D, D),
            full(D),
        ],
        out_specs=pl.BlockSpec((1, 1, TB), lambda i: (i, 0, 0)),
        out_shape=jax.ShapeDtypeStruct((NT, 1, TB), jnp.float32),
        compiler_params=pltpu.CompilerParams(
            dimension_semantics=("arbitrary",)),
    )(emb, did3, domain_table, W1e, W1d, b1, W2, b2, W3r, b3r,
      Wd1, bd1, Wd2, bd2, Wo, bo)
    return out.reshape(B)


def kernel(x, domain_id, table, domain_table, W1, b1, W2, b2, W3, b3,
           Wd1, bd1, Wd2, bd2, Wo, bo):
    idx = x.astype(jnp.int32).reshape(NW, NCHUNK, CHUNK)
    tbl = _tc_transpose(table.T)
    tbl = jnp.reshape(tbl, (TGRID * TCOLS, E))
    flat = np.arange(NCHUNK * CHUNK, dtype=np.int64).reshape(NCHUNK, CHUNK)
    bl, fl = flat // F, flat % F
    d0 = jnp.asarray(((bl >> 3) << 8) + ((fl >> 3) << 6)
                     + ((bl & 7) << 3) + (fl & 7), jnp.int32)
    rows = _sc_gather(idx, d0, tbl)
    emb4 = jnp.reshape(rows, (B // 8, NSLAB, 8, 128))
    did3 = domain_id.astype(jnp.int32).reshape(NT, 1, TB)
    W1e = W1[:, :EMB, :]
    W1d = W1[:, EMB:, :]
    W3r = W3[:, :, 0]
    b3r = b3[:, 0]
    return _tc_mlp(emb4, did3, domain_table, W1e, W1d, b1, W2, b2, W3r, b3r,
                   Wd1, bd1, Wd2, bd2, Wo, bo)

# --- scband reference (transcript-rebuilt; emitter-appended) ---
"""Pipeline reference for scband-dswinmodel-86955907875093 (READ-ONLY COPY).

The authoritative reference and input builder live on the scoring server;
editing this copy changes nothing except your own understanding.
"""

import jax, jax.numpy as jnp
import numpy as np

B = 4096      # batch
F = 26        # n_sparse_fields (feature_count of EmbeddingSumConcat)
V = 1000000   # vocab per shared table
E = 16        # embedding_dim
D = 4         # domain_count
IN = F * E + E  # input dim for domain branches (26*16 + 16 = 432)
H1, H2 = 512, 128
DW = 64


def setup_inputs(seed: int = 0) -> dict:
    key = jax.random.key(seed)
    ks = jax.random.split(key, 18)
    x = jax.random.randint(ks[0], (B, F), 0, V)
    domain_id = jax.random.randint(ks[1], (B,), 0, D)
    # shared sparse embedding table (ms.EmbeddingSumConcat emulated: one id per field -> sum==lookup, concat over fields)
    table = (jax.random.normal(ks[2], (V, E), dtype=jnp.float32) * 0.1).astype(jnp.float32)
    domain_table = jax.random.normal(ks[3], (D, E), dtype=jnp.float32) * 0.1
    # per-domain branch MLP params, stacked over domain axis
    W1 = jax.random.normal(ks[4], (D, IN, H1), dtype=jnp.float32) / np.sqrt(IN)
    b1 = jnp.zeros((D, H1), dtype=jnp.float32)
    W2 = jax.random.normal(ks[5], (D, H1, H2), dtype=jnp.float32) / np.sqrt(H1)
    b2 = jnp.zeros((D, H2), dtype=jnp.float32)
    W3 = jax.random.normal(ks[6], (D, H2, 1), dtype=jnp.float32) / np.sqrt(H2)
    b3 = jnp.zeros((D, 1), dtype=jnp.float32)
    # dynamic weight MLP (embed_dim -> 64 -> D, ReLU final) + output linear (D -> D)
    Wd1 = jax.random.normal(ks[7], (E, DW), dtype=jnp.float32) / np.sqrt(E)
    bd1 = jnp.zeros((DW,), dtype=jnp.float32)
    Wd2 = jax.random.normal(ks[8], (DW, D), dtype=jnp.float32) / np.sqrt(DW)
    bd2 = jnp.zeros((D,), dtype=jnp.float32)
    Wo = jax.random.normal(ks[9], (D, D), dtype=jnp.float32) / np.sqrt(D)
    bo = jnp.zeros((D,), dtype=jnp.float32)
    return {"x": x, "domain_id": domain_id, "table": table, "domain_table": domain_table,
            "W1": W1, "b1": b1, "W2": W2, "b2": b2, "W3": W3, "b3": b3,
            "Wd1": Wd1, "bd1": bd1, "Wd2": Wd2, "bd2": bd2, "Wo": Wo, "bo": bo}


def reference(x, domain_id, table, domain_table, W1, b1, W2, b2, W3, b3, Wd1, bd1, Wd2, bd2, Wo, bo):
    # shared sparse embedding: gather + concat over fields  [B, F*E]
    emb = jnp.take(table, x, axis=0).reshape(x.shape[0], -1)
    # domain embedding lookup  [B, E]
    dom = jnp.take(domain_table, domain_id, axis=0)
    branch_input = jnp.concatenate([emb, dom], axis=1)  # [B, IN]
    # per-domain branches (stacked MLPs), ReLU hidden, linear out
    h = jax.nn.relu(jnp.einsum('bi,dio->dbo', branch_input, W1) + b1[:, None, :])
    h = jax.nn.relu(jnp.einsum('dbi,dio->dbo', h, W2) + b2[:, None, :])
    out = jnp.einsum('dbi,dio->dbo', h, W3) + b3[:, None, :]  # [D, B, 1]
    all_branch_outputs = out[:, :, 0].T  # [B, D]
    # dynamic weight network on domain embedding
    wh = jax.nn.relu(dom @ Wd1 + bd1)
    wh = jax.nn.relu(wh @ Wd2 + bd2)   # final_activation = ReLU
    weight_logits = wh @ Wo + bo
    dynamic_weights = jax.nn.softmax(weight_logits, axis=1)
    weighted_sum_logits = jnp.sum(all_branch_outputs * dynamic_weights, axis=1, keepdims=True)
    output = jax.nn.sigmoid(weighted_sum_logits)
    return output.squeeze(-1)  # [B]

if __name__ == "__main__":
    import jax
    _d = setup_inputs()
    print(jax.jit(kernel)(*tuple(_d.values())))

</pallas_src>

<mosaic_0001>
#map = affine_map<(d0, d1) -> (0, 0, 0)>
#map1 = affine_map<(d0, d1) -> (0, 0)>
module attributes {stable_mosaic.version = 14 : i64} {
  func.func @_gather_body(%arg0: i32, %arg1: i32, %arg2: memref<32x26x128xi32, #tpu.memory_space<hbm>>, %arg3: memref<26x128xi32, #tpu.memory_space<hbm>>, %arg4: memref<1048576x16xf32, #tpu.memory_space<hbm>>, %arg5: memref<131072x16xf32, #tpu.memory_space<hbm>>, %arg6: memref<26x128xi32, #tpu.memory_space<vmem>>, %arg7: memref<26x128xi32, #tpu.memory_space<vmem>>, %arg8: memref<26x128x16xf32, #tpu.memory_space<vmem>>, %arg9: memref<!tpu.dma_semaphore, #tpu.memory_space<semaphore_mem>>) attributes {dimension_semantics = [#tpu.dimension_semantics<core_parallel>, #tpu.dimension_semantics<subcore_parallel>], iteration_bounds = array<i64: 2, 16>, scalar_prefetch = 0 : i64, scratch_operands = 4 : i64, tpu.core_type = #tpu.core_type<sc_vector_subcore>, window_params = [{transform_indices = #map}, {transform_indices = #map1}, {transform_indices = #map1}, {transform_indices = #map1}]} {
    %mul3A = arith.constant 2 : i32
    %mul3A_0 = arith.muli %arg1, %mul3A : i32
    %add3A = arith.addi %mul3A_0, %arg0 : i32
    "tpu.region"() ({
      %run_scoped3A = tpu.sem_alloc : memref<!tpu.dma_semaphore, #tpu.memory_space<semaphore_mem>>
      %dma_start3A_642 = arith.constant 0 : i32
      %dma_start3A_643 = arith.constant 0 : i32
      %dma_start3A_644 = tpu.memref_slice %arg2[%add3A, %dma_start3A_642, %dma_start3A_643] : memref<32x26x128xi32, #tpu.memory_space<hbm>> -> memref<1x26x128xi32, #tpu.memory_space<hbm>>
      %dma_start3A_645 = tpu.memref_squeeze %dma_start3A_644 : memref<1x26x128xi32, #tpu.memory_space<hbm>> -> memref<26x128xi32, #tpu.memory_space<hbm>>
      %dma_start3A_646 = arith.constant 0 : i32
      %dma_start3A_647 = arith.constant 0 : i32
      %dma_start3A_648 = tpu.memref_slice %arg2[%add3A, %dma_start3A_646, %dma_start3A_647] : memref<32x26x128xi32, #tpu.memory_space<hbm>> -> memref<1x26x128xi32, #tpu.memory_space<hbm>>
      %dma_start3A_649 = tpu.memref_squeeze %dma_start3A_648 : memref<1x26x128xi32, #tpu.memory_space<hbm>> -> memref<26x128xi32, #tpu.memory_space<hbm>>
      tpu.enqueue_dma source(%dma_start3A_649 : memref<26x128xi32, #tpu.memory_space<hbm>>) target(%arg6 : memref<26x128xi32, #tpu.memory_space<vmem>>) target_semaphore(%run_scoped3A : memref<!tpu.dma_semaphore, #tpu.memory_space<semaphore_mem>>)
      %dma_wait3A = arith.constant 0 : i32
      %dma_wait3A_650 = arith.constant 0 : i32
      %dma_wait3A_651 = tpu.memref_slice %arg2[%add3A, %dma_wait3A, %dma_wait3A_650] : memref<32x26x128xi32, #tpu.memory_space<hbm>> -> memref<1x26x128xi32, #tpu.memory_space<hbm>>
      %dma_wait3A_652 = tpu.memref_squeeze %dma_wait3A_651 : memref<1x26x128xi32, #tpu.memory_space<hbm>> -> memref<26x128xi32, #tpu.memory_space<hbm>>
      %dma_wait3A_653 = arith.constant 0 : i32
      %dma_wait3A_654 = arith.constant 0 : i32
      %dma_wait3A_655 = tpu.memref_slice %arg2[%add3A, %dma_wait3A_653, %dma_wait3A_654] : memref<32x26x128xi32, #tpu.memory_space<hbm>> -> memref<1x26x128xi32, #tpu.memory_space<hbm>>
      %dma_wait3A_656 = tpu.memref_squeeze %dma_wait3A_655 : memref<1x26x128xi32, #tpu.memory_space<hbm>> -> memref<26x128xi32, #tpu.memory_space<hbm>>
      tpu.wait_dma2 semaphore(%run_scoped3A : memref<!tpu.dma_semaphore, #tpu.memory_space<semaphore_mem>>) src(%dma_wait3A_656 : memref<26x128xi32, #tpu.memory_space<hbm>>) dst(%arg6 : memref<26x128xi32, #tpu.memory_space<vmem>>)
      tpu.yield
    }) : () -> ()
    "tpu.region"() ({
      %run_scoped3A = tpu.sem_alloc : memref<!tpu.dma_semaphore, #tpu.memory_space<semaphore_mem>>
      tpu.enqueue_dma source(%arg3 : memref<26x128xi32, #tpu.memory_space<hbm>>) target(%arg7 : memref<26x128xi32, #tpu.memory_space<vmem>>) target_semaphore(%run_scoped3A : memref<!tpu.dma_semaphore, #tpu.memory_space<semaphore_mem>>)
      tpu.wait_dma2 semaphore(%run_scoped3A : memref<!tpu.dma_semaphore, #tpu.memory_space<semaphore_mem>>) src(%arg3 : memref<26x128xi32, #tpu.memory_space<hbm>>) dst(%arg7 : memref<26x128xi32, #tpu.memory_space<vmem>>)
      tpu.yield
    }) : () -> ()
    %shift_left3A = arith.constant 12 : i32
    %shift_left3A_1 = arith.shli %add3A, %shift_left3A : i32
    %scan3A = arith.constant 0 : i32
    %scan3A_2 = arith.constant 0 : i32
    %scan3A_3 = arith.constant 208 : i32
    %scan3A_4 = arith.addi %scan3A_2, %scan3A_3 : i32
    %scan3A_5 = arith.constant 1 : i32
    scf.for %scan3A_642 = %scan3A_2 to %scan3A_4 step %scan3A_5  : i32 {
      %jit3A = arith.constant 8 : i32
      %div3A = arith.divsi %scan3A_642, %jit3A : i32
      %sign3A = arith.constant 0 : i32
      %sign3A_643 = arith.cmpi sgt, %scan3A_642, %sign3A : i32
      %sign3A_644 = arith.extui %sign3A_643 : i1 to i32
      %sign3A_645 = arith.constant 0 : i32
      %sign3A_646 = arith.cmpi slt, %scan3A_642, %sign3A_645 : i32
      %sign3A_647 = arith.extui %sign3A_646 : i1 to i32
      %sign3A_648 = arith.subi %sign3A_644, %sign3A_647 : i32
      %sign3A_649 = arith.constant 0 : i32
      %sign3A_650 = arith.cmpi sgt, %jit3A, %sign3A_649 : i32
      %sign3A_651 = arith.extui %sign3A_650 : i1 to i32
      %sign3A_652 = arith.constant 0 : i32
      %sign3A_653 = arith.cmpi slt, %jit3A, %sign3A_652 : i32
      %sign3A_654 = arith.extui %sign3A_653 : i1 to i32
      %sign3A_655 = arith.subi %sign3A_651, %sign3A_654 : i32
      %ne3A = arith.cmpi ne, %sign3A_648, %sign3A_655 : i32
      %rem3A = arith.remsi %scan3A_642, %jit3A : i32
      %ne3A_656 = arith.constant 0 : i32
      %ne3A_657 = arith.cmpi ne, %rem3A, %ne3A_656 : i32
      %and3A = arith.andi %ne3A, %ne3A_657 : i1
      %sub3A = arith.constant 1 : i32
      %sub3A_658 = arith.subi %div3A, %sub3A : i32
      %select_n3A = arith.select %and3A, %sub3A_658, %div3A : i32
      %jit3A_659 = arith.constant 8 : i32
      %eq3A = arith.constant 0 : i32
      %eq3A_660 = arith.cmpi eq, %jit3A_659, %eq3A : i32
      %jit3A_661 = arith.constant 1 : i32
      %select_n3A_662 = arith.select %eq3A_660, %jit3A_661, %jit3A_659 : i32
      %rem3A_663 = arith.remsi %scan3A_642, %select_n3A_662 : i32
      %ne3A_664 = arith.constant 0 : i32
      %ne3A_665 = arith.cmpi ne, %rem3A_663, %ne3A_664 : i32
      %lt3A = arith.constant 0 : i32
      %lt3A_666 = arith.cmpi slt, %rem3A_663, %lt3A : i32
      %lt3A_667 = arith.constant 0 : i32
      %lt3A_668 = arith.cmpi slt, %select_n3A_662, %lt3A_667 : i32
      %ne3A_669 = arith.xori %lt3A_666, %lt3A_668 : i1
      %and3A_670 = arith.andi %ne3A_669, %ne3A_665 : i1
      %add3A_671 = arith.addi %rem3A_663, %select_n3A_662 : i32
      %select_n3A_672 = arith.select %and3A_670, %add3A_671, %rem3A_663 : i32
      %mul3A_673 = arith.constant 16 : i32
      %mul3A_674 = arith.muli %select_n3A_672, %mul3A_673 : i32
      %get3A = arith.index_cast %select_n3A : i32 to index
      %get3A_675 = arith.index_cast %mul3A_674 : i32 to index
      %get3A_676 = tpu.vector_load %arg6[%get3A, %get3A_675] {strides = array<i32>} : memref<26x128xi32, #tpu.memory_space<vmem>>, vector<1x16xi32>,
      %get3A_677 = vector.shape_cast %get3A_676 : vector<1x16xi32> to vector<16xi32>
      %shift_right_logical3A = arith.constant 10 : i32
      %shift_right_logical3A_678 = vector.broadcast %shift_right_logical3A : i32 to vector<16xi32>
      %shift_right_logical3A_679 = arith.shrui %get3A_677, %shift_right_logical3A_678 : vector<16xi32>
      %shift_left3A_680 = arith.constant 10 : i32
      %shift_left3A_681 = vector.broadcast %shift_left3A_680 : i32 to vector<16xi32>
      %shift_left3A_682 = arith.shli %shift_right_logical3A_679, %shift_left3A_681 : vector<16xi32>
      %and3A_683 = arith.constant 127 : i32
      %and3A_684 = vector.broadcast %and3A_683 : i32 to vector<16xi32>
      %and3A_685 = arith.andi %get3A_677, %and3A_684 : vector<16xi32>
      %shift_left3A_686 = arith.constant 3 : i32
      %shift_left3A_687 = vector.broadcast %shift_left3A_686 : i32 to vector<16xi32>
      %shift_left3A_688 = arith.shli %and3A_685, %shift_left3A_687 : vector<16xi32>
      %add3A_689 = arith.addi %shift_left3A_682, %shift_left3A_688 : vector<16xi32>
      %shift_right_logical3A_690 = arith.constant 7 : i32
      %shift_right_logical3A_691 = vector.broadcast %shift_right_logical3A_690 : i32 to vector<16xi32>
      %shift_right_logical3A_692 = arith.shrui %get3A_677, %shift_right_logical3A_691 : vector<16xi32>
      %and3A_693 = arith.constant 7 : i32
      %and3A_694 = vector.broadcast %and3A_693 : i32 to vector<16xi32>
      %and3A_695 = arith.andi %shift_right_logical3A_692, %and3A_694 : vector<16xi32>
      %add3A_696 = arith.addi %add3A_689, %and3A_695 : vector<16xi32>
      %mul3A_697 = arith.constant 16 : i32
      %mul3A_698 = arith.muli %select_n3A_672, %mul3A_697 : i32
      %swap3A = arith.index_cast %select_n3A : i32 to index
      %swap3A_699 = arith.index_cast %mul3A_698 : i32 to index
      %swap3A_700 = tpu.vector_load %arg6[%swap3A, %swap3A_699] {strides = array<i32>} : memref<26x128xi32, #tpu.memory_space<vmem>>, vector<1x16xi32>,
      %swap3A_701 = vector.shape_cast %swap3A_700 : vector<1x16xi32> to vector<16xi32>
      %swap3A_702 = vector.shape_cast %add3A_696 : vector<16xi32> to vector<1x16xi32>
      tpu.vector_store %arg6[%swap3A, %swap3A_699], %swap3A_702 {strides = array<i32>} : memref<26x128xi32, #tpu.memory_space<vmem>>, vector<1x16xi32>,
      %mul3A_703 = arith.constant 16 : i32
      %mul3A_704 = arith.muli %select_n3A_672, %mul3A_703 : i32
      %get3A_705 = arith.index_cast %select_n3A : i32 to index
      %get3A_706 = arith.index_cast %mul3A_704 : i32 to index
      %get3A_707 = tpu.vector_load %arg7[%get3A_705, %get3A_706] {strides = array<i32>} : memref<26x128xi32, #tpu.memory_space<vmem>>, vector<1x16xi32>,
      %get3A_708 = vector.shape_cast %get3A_707 : vector<1x16xi32> to vector<16xi32>
      %add3A_709 = vector.broadcast %shift_left3A_1 : i32 to vector<16xi32>
      %add3A_710 = arith.addi %get3A_708, %add3A_709 : vector<16xi32>
      %mul3A_711 = arith.constant 16 : i32
      %mul3A_712 = arith.muli %select_n3A_672, %mul3A_711 : i32
      %swap3A_713 = arith.index_cast %select_n3A : i32 to index
      %swap3A_714 = arith.index_cast %mul3A_712 : i32 to index
      %swap3A_715 = tpu.vector_load %arg7[%swap3A_713, %swap3A_714] {strides = array<i32>} : memref<26x128xi32, #tpu.memory_space<vmem>>, vector<1x16xi32>,
      %swap3A_716 = vector.shape_cast %swap3A_715 : vector<1x16xi32> to vector<16xi32>
      %swap3A_717 = vector.shape_cast %add3A_710 : vector<16xi32> to vector<1x16xi32>
      tpu.vector_store %arg7[%swap3A_713, %swap3A_714], %swap3A_717 {strides = array<i32>} : memref<26x128xi32, #tpu.memory_space<vmem>>, vector<1x16xi32>,
    }
    %scan3A_6 = arith.constant 208 : i32
    %dma_start3A = arith.constant 0 : i32
    %dma_start3A_7 = arith.constant 0 : i32
    %dma_start3A_8 = arith.constant 0 : i32
    %dma_start3A_9 = arith.constant 0 : i32
    %dma_start3A_10 = tpu.memref_slice %arg8[%dma_start3A_7, %dma_start3A_8, %dma_start3A_9] : memref<26x128x16xf32, #tpu.memory_space<vmem>> -> memref<1x128x16xf32, #tpu.memory_space<vmem>>
    %dma_start3A_11 = tpu.memref_squeeze %dma_start3A_10 : memref<1x128x16xf32, #tpu.memory_space<vmem>> -> memref<128x16xf32, #tpu.memory_space<vmem>>
    %dma_start3A_12 = arith.constant 0 : i32
    %dma_start3A_13 = tpu.memref_slice %arg6[%dma_start3A, %dma_start3A_12] : memref<26x128xi32, #tpu.memory_space<vmem>> -> memref<1x128xi32, #tpu.memory_space<vmem>>
    %dma_start3A_14 = tpu.memref_squeeze %dma_start3A_13 : memref<1x128xi32, #tpu.memory_space<vmem>> -> memref<128xi32, #tpu.memory_space<vmem>>
    %dma_start3A_15 = arith.constant 0 : i32
    %dma_start3A_16 = arith.constant 0 : i32
    %dma_start3A_17 = tpu.memref_slice %arg4[%dma_start3A_15, %dma_start3A_16] : memref<1048576x16xf32, #tpu.memory_space<hbm>> -> memref<1048576x16xf32, #tpu.memory_space<hbm>>
    tpu.enqueue_indirect_dma source(%dma_start3A_17 : memref<1048576x16xf32, #tpu.memory_space<hbm>>) target(%dma_start3A_11 : memref<128x16xf32, #tpu.memory_space<vmem>>) offsets(%dma_start3A_14 : memref<128xi32, #tpu.memory_space<vmem>>) semaphore(%arg9 : memref<!tpu.dma_semaphore, #tpu.memory_space<semaphore_mem>>)
    %dma_start3A_18 = arith.constant 1 : i32
    %dma_start3A_19 = arith.constant 1 : i32
    %dma_start3A_20 = arith.constant 0 : i32
    %dma_start3A_21 = arith.constant 0 : i32
    %dma_start3A_22 = tpu.memref_slice %arg8[%dma_start3A_19, %dma_start3A_20, %dma_start3A_21] : memref<26x128x16xf32, #tpu.memory_space<vmem>> -> memref<1x128x16xf32, #tpu.memory_space<vmem>>
    %dma_start3A_23 = tpu.memref_squeeze %dma_start3A_22 : memref<1x128x16xf32, #tpu.memory_space<vmem>> -> memref<128x16xf32, #tpu.memory_space<vmem>>
    %dma_start3A_24 = arith.constant 0 : i32
    %dma_start3A_25 = tpu.memref_slice %arg6[%dma_start3A_18, %dma_start3A_24] : memref<26x128xi32, #tpu.memory_space<vmem>> -> memref<1x128xi32, #tpu.memory_space<vmem>>
    %dma_start3A_26 = tpu.memref_squeeze %dma_start3A_25 : memref<1x128xi32, #tpu.memory_space<vmem>> -> memref<128xi32, #tpu.memory_space<vmem>>
    %dma_start3A_27 = arith.constant 0 : i32
    %dma_start3A_28 = arith.constant 0 : i32
    %dma_start3A_29 = tpu.memref_slice %arg4[%dma_start3A_27, %dma_start3A_28] : memref<1048576x16xf32, #tpu.memory_space<hbm>> -> memref<1048576x16xf32, #tpu.memory_space<hbm>>
    tpu.enqueue_indirect_dma source(%dma_start3A_29 : memref<1048576x16xf32, #tpu.memory_space<hbm>>) target(%dma_start3A_23 : memref<128x16xf32, #tpu.memory_space<vmem>>) offsets(%dma_start3A_26 : memref<128xi32, #tpu.memory_space<vmem>>) semaphore(%arg9 : memref<!tpu.dma_semaphore, #tpu.memory_space<semaphore_mem>>)
    %dma_start3A_30 = arith.constant 2 : i32
    %dma_start3A_31 = arith.constant 2 : i32
    %dma_start3A_32 = arith.constant 0 : i32
    %dma_start3A_33 = arith.constant 0 : i32
    %dma_start3A_34 = tpu.memref_slice %arg8[%dma_start3A_31, %dma_start3A_32, %dma_start3A_33] : memref<26x128x16xf32, #tpu.memory_space<vmem>> -> memref<1x128x16xf32, #tpu.memory_space<vmem>>
    %dma_start3A_35 = tpu.memref_squeeze %dma_start3A_34 : memref<1x128x16xf32, #tpu.memory_space<vmem>> -> memref<128x16xf32, #tpu.memory_space<vmem>>
    %dma_start3A_36 = arith.constant 0 : i32
    %dma_start3A_37 = tpu.memref_slice %arg6[%dma_start3A_30, %dma_start3A_36] : memref<26x128xi32, #tpu.memory_space<vmem>> -> memref<1x128xi32, #tpu.memory_space<vmem>>
    %dma_start3A_38 = tpu.memref_squeeze %dma_start3A_37 : memref<1x128xi32, #tpu.memory_space<vmem>> -> memref<128xi32, #tpu.memory_space<vmem>>
    %dma_start3A_39 = arith.constant 0 : i32
    %dma_start3A_40 = arith.constant 0 : i32
    %dma_start3A_41 = tpu.memref_slice %arg4[%dma_start3A_39, %dma_start3A_40] : memref<1048576x16xf32, #tpu.memory_space<hbm>> -> memref<1048576x16xf32, #tpu.memory_space<hbm>>
    tpu.enqueue_indirect_dma source(%dma_start3A_41 : memref<1048576x16xf32, #tpu.memory_space<hbm>>) target(%dma_start3A_35 : memref<128x16xf32, #tpu.memory_space<vmem>>) offsets(%dma_start3A_38 : memref<128xi32, #tpu.memory_space<vmem>>) semaphore(%arg9 : memref<!tpu.dma_semaphore, #tpu.memory_space<semaphore_mem>>)
    %dma_start3A_42 = arith.constant 3 : i32
    %dma_start3A_43 = arith.constant 3 : i32
    %dma_start3A_44 = arith.constant 0 : i32
    %dma_start3A_45 = arith.constant 0 : i32
    %dma_start3A_46 = tpu.memref_slice %arg8[%dma_start3A_43, %dma_start3A_44, %dma_start3A_45] : memref<26x128x16xf32, #tpu.memory_space<vmem>> -> memref<1x128x16xf32, #tpu.memory_space<vmem>>
    %dma_start3A_47 = tpu.memref_squeeze %dma_start3A_46 : memref<1x128x16xf32, #tpu.memory_space<vmem>> -> memref<128x16xf32, #tpu.memory_space<vmem>>
    %dma_start3A_48 = arith.constant 0 : i32
    %dma_start3A_49 = tpu.memref_slice %arg6[%dma_start3A_42, %dma_start3A_48] : memref<26x128xi32, #tpu.memory_space<vmem>> -> memref<1x128xi32, #tpu.memory_space<vmem>>
    %dma_start3A_50 = tpu.memref_squeeze %dma_start3A_49 : memref<1x128xi32, #tpu.memory_space<vmem>> -> memref<128xi32, #tpu.memory_space<vmem>>
    %dma_start3A_51 = arith.constant 0 : i32
    %dma_start3A_52 = arith.constant 0 : i32
    %dma_start3A_53 = tpu.memref_slice %arg4[%dma_start3A_51, %dma_start3A_52] : memref<1048576x16xf32, #tpu.memory_space<hbm>> -> memref<1048576x16xf32, #tpu.memory_space<hbm>>
    tpu.enqueue_indirect_dma source(%dma_start3A_53 : memref<1048576x16xf32, #tpu.memory_space<hbm>>) target(%dma_start3A_47 : memref<128x16xf32, #tpu.memory_space<vmem>>) offsets(%dma_start3A_50 : memref<128xi32, #tpu.memory_space<vmem>>) semaphore(%arg9 : memref<!tpu.dma_semaphore, #tpu.memory_space<semaphore_mem>>)
    %dma_start3A_54 = arith.constant 4 : i32
    %dma_start3A_55 = arith.constant 4 : i32
    %dma_start3A_56 = arith.constant 0 : i32
    %dma_start3A_57 = arith.constant 0 : i32
    %dma_start3A_58 = tpu.memref_slice %arg8[%dma_start3A_55, %dma_start3A_56, %dma_start3A_57] : memref<26x128x16xf32, #tpu.memory_space<vmem>> -> memref<1x128x16xf32, #tpu.memory_space<vmem>>
    %dma_start3A_59 = tpu.memref_squeeze %dma_start3A_58 : memref<1x128x16xf32, #tpu.memory_space<vmem>> -> memref<128x16xf32, #tpu.memory_space<vmem>>
    %dma_start3A_60 = arith.constant 0 : i32
    %dma_start3A_61 = tpu.memref_slice %arg6[%dma_start3A_54, %dma_start3A_60] : memref<26x128xi32, #tpu.memory_space<vmem>> -> memref<1x128xi32, #tpu.memory_space<vmem>>
    %dma_start3A_62 = tpu.memref_squeeze %dma_start3A_61 : memref<1x128xi32, #tpu.memory_space<vmem>> -> memref<128xi32, #tpu.memory_space<vmem>>
    %dma_start3A_63 = arith.constant 0 : i32
    %dma_start3A_64 = arith.constant 0 : i32
    %dma_start3A_65 = tpu.memref_slice %arg4[%dma_start3A_63, %dma_start3A_64] : memref<1048576x16xf32, #tpu.memory_space<hbm>> -> memref<1048576x16xf32, #tpu.memory_space<hbm>>
    tpu.enqueue_indirect_dma source(%dma_start3A_65 : memref<1048576x16xf32, #tpu.memory_space<hbm>>) target(%dma_start3A_59 : memref<128x16xf32, #tpu.memory_space<vmem>>) offsets(%dma_start3A_62 : memref<128xi32, #tpu.memory_space<vmem>>) semaphore(%arg9 : memref<!tpu.dma_semaphore, #tpu.memory_space<semaphore_mem>>)
    %dma_start3A_66 = arith.constant 5 : i32
    %dma_start3A_67 = arith.constant 5 : i32
    %dma_start3A_68 = arith.constant 0 : i32
    %dma_start3A_69 = arith.constant 0 : i32
    %dma_start3A_70 = tpu.memref_slice %arg8[%dma_start3A_67, %dma_start3A_68, %dma_start3A_69] : memref<26x128x16xf32, #tpu.memory_space<vmem>> -> memref<1x128x16xf32, #tpu.memory_space<vmem>>
    %dma_start3A_71 = tpu.memref_squeeze %dma_start3A_70 : memref<1x128x16xf32, #tpu.memory_space<vmem>> -> memref<128x16xf32, #tpu.memory_space<vmem>>
    %dma_start3A_72 = arith.constant 0 : i32
    %dma_start3A_73 = tpu.memref_slice %arg6[%dma_start3A_66, %dma_start3A_72] : memref<26x128xi32, #tpu.memory_space<vmem>> -> memref<1x128xi32, #tpu.memory_space<vmem>>
    %dma_start3A_74 = tpu.memref_squeeze %dma_start3A_73 : memref<1x128xi32, #tpu.memory_space<vmem>> -> memref<128xi32, #tpu.memory_space<vmem>>
    %dma_start3A_75 = arith.constant 0 : i32
    %dma_start3A_76 = arith.constant 0 : i32
    %dma_start3A_77 = tpu.memref_slice %arg4[%dma_start3A_75, %dma_start3A_76] : memref<1048576x16xf32, #tpu.memory_space<hbm>> -> memref<1048576x16xf32, #tpu.memory_space<hbm>>
    tpu.enqueue_indirect_dma source(%dma_start3A_77 : memref<1048576x16xf32, #tpu.memory_space<hbm>>) target(%dma_start3A_71 : memref<128x16xf32, #tpu.memory_space<vmem>>) offsets(%dma_start3A_74 : memref<128xi32, #tpu.memory_space<vmem>>) semaphore(%arg9 : memref<!tpu.dma_semaphore, #tpu.memory_space<semaphore_mem>>)
    %dma_start3A_78 = arith.constant 6 : i32
    %dma_start3A_79 = arith.constant 6 : i32
    %dma_start3A_80 = arith.constant 0 : i32
    %dma_start3A_81 = arith.constant 0 : i32
    %dma_start3A_82 = tpu.memref_slice %arg8[%dma_start3A_79, %dma_start3A_80, %dma_start3A_81] : memref<26x128x16xf32, #tpu.memory_space<vmem>> -> memref<1x128x16xf32, #tpu.memory_space<vmem>>
    %dma_start3A_83 = tpu.memref_squeeze %dma_start3A_82 : memref<1x128x16xf32, #tpu.memory_space<vmem>> -> memref<128x16xf32, #tpu.memory_space<vmem>>
    %dma_start3A_84 = arith.constant 0 : i32
    %dma_start3A_85 = tpu.memref_slice %arg6[%dma_start3A_78, %dma_start3A_84] : memref<26x128xi32, #tpu.memory_space<vmem>> -> memref<1x128xi32, #tpu.memory_space<vmem>>
    %dma_start3A_86 = tpu.memref_squeeze %dma_start3A_85 : memref<1x128xi32, #tpu.memory_space<vmem>> -> memref<128xi32, #tpu.memory_space<vmem>>
    %dma_start3A_87 = arith.constant 0 : i32
    %dma_start3A_88 = arith.constant 0 : i32
    %dma_start3A_89 = tpu.memref_slice %arg4[%dma_start3A_87, %dma_start3A_88] : memref<1048576x16xf32, #tpu.memory_space<hbm>> -> memref<1048576x16xf32, #tpu.memory_space<hbm>>
    tpu.enqueue_indirect_dma source(%dma_start3A_89 : memref<1048576x16xf32, #tpu.memory_space<hbm>>) target(%dma_start3A_83 : memref<128x16xf32, #tpu.memory_space<vmem>>) offsets(%dma_start3A_86 : memref<128xi32, #tpu.memory_space<vmem>>) semaphore(%arg9 : memref<!tpu.dma_semaphore, #tpu.memory_space<semaphore_mem>>)
    %dma_start3A_90 = arith.constant 7 : i32
    %dma_start3A_91 = arith.constant 7 : i32
    %dma_start3A_92 = arith.constant 0 : i32
    %dma_start3A_93 = arith.constant 0 : i32
    %dma_start3A_94 = tpu.memref_slice %arg8[%dma_start3A_91, %dma_start3A_92, %dma_start3A_93] : memref<26x128x16xf32, #tpu.memory_space<vmem>> -> memref<1x128x16xf32, #tpu.memory_space<vmem>>
    %dma_start3A_95 = tpu.memref_squeeze %dma_start3A_94 : memref<1x128x16xf32, #tpu.memory_space<vmem>> -> memref<128x16xf32, #tpu.memory_space<vmem>>
    %dma_start3A_96 = arith.constant 0 : i32
    %dma_start3A_97 = tpu.memref_slice %arg6[%dma_start3A_90, %dma_start3A_96] : memref<26x128xi32, #tpu.memory_space<vmem>> -> memref<1x128xi32, #tpu.memory_space<vmem>>
    %dma_start3A_98 = tpu.memref_squeeze %dma_start3A_97 : memref<1x128xi32, #tpu.memory_space<vmem>> -> memref<128xi32, #tpu.memory_space<vmem>>
    %dma_start3A_99 = arith.constant 0 : i32
    %dma_start3A_100 = arith.constant 0 : i32
    %dma_start3A_101 = tpu.memref_slice %arg4[%dma_start3A_99, %dma_start3A_100] : memref<1048576x16xf32, #tpu.memory_space<hbm>> -> memref<1048576x16xf32, #tpu.memory_space<hbm>>
    tpu.enqueue_indirect_dma source(%dma_start3A_101 : memref<1048576x16xf32, #tpu.memory_space<hbm>>) target(%dma_start3A_95 : memref<128x16xf32, #tpu.memory_space<vmem>>) offsets(%dma_start3A_98 : memref<128xi32, #tpu.memory_space<vmem>>) semaphore(%arg9 : memref<!tpu.dma_semaphore, #tpu.memory_space<semaphore_mem>>)
    %dma_start3A_102 = arith.constant 8 : i32
    %dma_start3A_103 = arith.constant 8 : i32
    %dma_start3A_104 = arith.constant 0 : i32
    %dma_start3A_105 = arith.constant 0 : i32
    %dma_start3A_106 = tpu.memref_slice %arg8[%dma_start3A_103, %dma_start3A_104, %dma_start3A_105] : memref<26x128x16xf32, #tpu.memory_space<vmem>> -> memref<1x128x16xf32, #tpu.memory_space<vmem>>
    %dma_start3A_107 = tpu.memref_squeeze %dma_start3A_106 : memref<1x128x16xf32, #tpu.memory_space<vmem>> -> memref<128x16xf32, #tpu.memory_space<vmem>>
    %dma_start3A_108 = arith.constant 0 : i32
    %dma_start3A_109 = tpu.memref_slice %arg6[%dma_start3A_102, %dma_start3A_108] : memref<26x128xi32, #tpu.memory_space<vmem>> -> memref<1x128xi32, #tpu.memory_space<vmem>>
    %dma_start3A_110 = tpu.memref_squeeze %dma_start3A_109 : memref<1x128xi32, #tpu.memory_space<vmem>> -> memref<128xi32, #tpu.memory_space<vmem>>
    %dma_start3A_111 = arith.constant 0 : i32
    %dma_start3A_112 = arith.constant 0 : i32
    %dma_start3A_113 = tpu.memref_slice %arg4[%dma_start3A_111, %dma_start3A_112] : memref<1048576x16xf32, #tpu.memory_space<hbm>> -> memref<1048576x16xf32, #tpu.memory_space<hbm>>
    tpu.enqueue_indirect_dma source(%dma_start3A_113 : memref<1048576x16xf32, #tpu.memory_space<hbm>>) target(%dma_start3A_107 : memref<128x16xf32, #tpu.memory_space<vmem>>) offsets(%dma_start3A_110 : memref<128xi32, #tpu.memory_space<vmem>>) semaphore(%arg9 : memref<!tpu.dma_semaphore, #tpu.memory_space<semaphore_mem>>)
    %dma_start3A_114 = arith.constant 9 : i32
    %dma_start3A_115 = arith.constant 9 : i32
    %dma_start3A_116 = arith.constant 0 : i32
    %dma_start3A_117 = arith.constant 0 : i32
    %dma_start3A_118 = tpu.memref_slice %arg8[%dma_start3A_115, %dma_start3A_116, %dma_start3A_117] : memref<26x128x16xf32, #tpu.memory_space<vmem>> -> memref<1x128x16xf32, #tpu.memory_space<vmem>>
    %dma_start3A_119 = tpu.memref_squeeze %dma_start3A_118 : memref<1x128x16xf32, #tpu.memory_space<vmem>> -> memref<128x16xf32, #tpu.memory_space<vmem>>
    %dma_start3A_120 = arith.constant 0 : i32
    %dma_start3A_121 = tpu.memref_slice %arg6[%dma_start3A_114, %dma_start3A_120] : memref<26x128xi32, #tpu.memory_space<vmem>> -> memref<1x128xi32, #tpu.memory_space<vmem>>
    %dma_start3A_122 = tpu.memref_squeeze %dma_start3A_121 : memref<1x128xi32, #tpu.memory_space<vmem>> -> memref<128xi32, #tpu.memory_space<vmem>>
    %dma_start3A_123 = arith.constant 0 : i32
    %dma_start3A_124 = arith.constant 0 : i32
    %dma_start3A_125 = tpu.memref_slice %arg4[%dma_start3A_123, %dma_start3A_124] : memref<1048576x16xf32, #tpu.memory_space<hbm>> -> memref<1048576x16xf32, #tpu.memory_space<hbm>>
    tpu.enqueue_indirect_dma source(%dma_start3A_125 : memref<1048576x16xf32, #tpu.memory_space<hbm>>) target(%dma_start3A_119 : memref<128x16xf32, #tpu.memory_space<vmem>>) offsets(%dma_start3A_122 : memref<128xi32, #tpu.memory_space<vmem>>) semaphore(%arg9 : memref<!tpu.dma_semaphore, #tpu.memory_space<semaphore_mem>>)
    %dma_start3A_126 = arith.constant 10 : i32
    %dma_start3A_127 = arith.constant 10 : i32
    %dma_start3A_128 = arith.constant 0 : i32
    %dma_start3A_129 = arith.constant 0 : i32
    %dma_start3A_130 = tpu.memref_slice %arg8[%dma_start3A_127, %dma_start3A_128, %dma_start3A_129] : memref<26x128x16xf32, #tpu.memory_space<vmem>> -> memref<1x128x16xf32, #tpu.memory_space<vmem>>
    %dma_start3A_131 = tpu.memref_squeeze %dma_start3A_130 : memref<1x128x16xf32, #tpu.memory_space<vmem>> -> memref<128x16xf32, #tpu.memory_space<vmem>>
    %dma_start3A_132 = arith.constant 0 : i32
    %dma_start3A_133 = tpu.memref_slice %arg6[%dma_start3A_126, %dma_start3A_132] : memref<26x128xi32, #tpu.memory_space<vmem>> -> memref<1x128xi32, #tpu.memory_space<vmem>>
    %dma_start3A_134 = tpu.memref_squeeze %dma_start3A_133 : memref<1x128xi32, #tpu.memory_space<vmem>> -> memref<128xi32, #tpu.memory_space<vmem>>
    %dma_start3A_135 = arith.constant 0 : i32
    %dma_start3A_136 = arith.constant 0 : i32
    %dma_start3A_137 = tpu.memref_slice %arg4[%dma_start3A_135, %dma_start3A_136] : memref<1048576x16xf32, #tpu.memory_space<hbm>> -> memref<1048576x16xf32, #tpu.memory_space<hbm>>
    tpu.enqueue_indirect_dma source(%dma_start3A_137 : memref<1048576x16xf32, #tpu.memory_space<hbm>>) target(%dma_start3A_131 : memref<128x16xf32, #tpu.memory_space<vmem>>) offsets(%dma_start3A_134 : memref<128xi32, #tpu.memory_space<vmem>>) semaphore(%arg9 : memref<!tpu.dma_semaphore, #tpu.memory_space<semaphore_mem>>)
    %dma_start3A_138 = arith.constant 11 : i32
    %dma_start3A_139 = arith.constant 11 : i32
    %dma_start3A_140 = arith.constant 0 : i32
    %dma_start3A_141 = arith.constant 0 : i32
    %dma_start3A_142 = tpu.memref_slice %arg8[%dma_start3A_139, %dma_start3A_140, %dma_start3A_141] : memref<26x128x16xf32, #tpu.memory_space<vmem>> -> memref<1x128x16xf32, #tpu.memory_space<vmem>>
    %dma_start3A_143 = tpu.memref_squeeze %dma_start3A_142 : memref<1x128x16xf32, #tpu.memory_space<vmem>> -> memref<128x16xf32, #tpu.memory_space<vmem>>
    %dma_start3A_144 = arith.constant 0 : i32
    %dma_start3A_145 = tpu.memref_slice %arg6[%dma_start3A_138, %dma_start3A_144] : memref<26x128xi32, #tpu.memory_space<vmem>> -> memref<1x128xi32, #tpu.memory_space<vmem>>
    %dma_start3A_146 = tpu.memref_squeeze %dma_start3A_145 : memref<1x128xi32, #tpu.memory_space<vmem>> -> memref<128xi32, #tpu.memory_space<vmem>>
    %dma_start3A_147 = arith.constant 0 : i32
    %dma_start3A_148 = arith.constant 0 : i32
    %dma_start3A_149 = tpu.memref_slice %arg4[%dma_start3A_147, %dma_start3A_148] : memref<1048576x16xf32, #tpu.memory_space<hbm>> -> memref<1048576x16xf32, #tpu.memory_space<hbm>>
    tpu.enqueue_indirect_dma source(%dma_start3A_149 : memref<1048576x16xf32, #tpu.memory_space<hbm>>) target(%dma_start3A_143 : memref<128x16xf32, #tpu.memory_space<vmem>>) offsets(%dma_start3A_146 : memref<128xi32, #tpu.memory_space<vmem>>) semaphore(%arg9 : memref<!tpu.dma_semaphore, #tpu.memory_space<semaphore_mem>>)
    %dma_start3A_150 = arith.constant 12 : i32
    %dma_start3A_151 = arith.constant 12 : i32
    %dma_start3A_152 = arith.constant 0 : i32
    %dma_start3A_153 = arith.constant 0 : i32
    %dma_start3A_154 = tpu.memref_slice %arg8[%dma_start3A_151, %dma_start3A_152, %dma_start3A_153] : memref<26x128x16xf32, #tpu.memory_space<vmem>> -> memref<1x128x16xf32, #tpu.memory_space<vmem>>
    %dma_start3A_155 = tpu.memref_squeeze %dma_start3A_154 : memref<1x128x16xf32, #tpu.memory_space<vmem>> -> memref<128x16xf32, #tpu.memory_space<vmem>>
    %dma_start3A_156 = arith.constant 0 : i32
    %dma_start3A_157 = tpu.memref_slice %arg6[%dma_start3A_150, %dma_start3A_156] : memref<26x128xi32, #tpu.memory_space<vmem>> -> memref<1x128xi32, #tpu.memory_space<vmem>>
    %dma_start3A_158 = tpu.memref_squeeze %dma_start3A_157 : memref<1x128xi32, #tpu.memory_space<vmem>> -> memref<128xi32, #tpu.memory_space<vmem>>
    %dma_start3A_159 = arith.constant 0 : i32
    %dma_start3A_160 = arith.constant 0 : i32
    %dma_start3A_161 = tpu.memref_slice %arg4[%dma_start3A_159, %dma_start3A_160] : memref<1048576x16xf32, #tpu.memory_space<hbm>> -> memref<1048576x16xf32, #tpu.memory_space<hbm>>
    tpu.enqueue_indirect_dma source(%dma_start3A_161 : memref<1048576x16xf32, #tpu.memory_space<hbm>>) target(%dma_start3A_155 : memref<128x16xf32, #tpu.memory_space<vmem>>) offsets(%dma_start3A_158 : memref<128xi32, #tpu.memory_space<vmem>>) semaphore(%arg9 : memref<!tpu.dma_semaphore, #tpu.memory_space<semaphore_mem>>)
    %dma_start3A_162 = arith.constant 13 : i32
    %dma_start3A_163 = arith.constant 13 : i32
    %dma_start3A_164 = arith.constant 0 : i32
    %dma_start3A_165 = arith.constant 0 : i32
    %dma_start3A_166 = tpu.memref_slice %arg8[%dma_start3A_163, %dma_start3A_164, %dma_start3A_165] : memref<26x128x16xf32, #tpu.memory_space<vmem>> -> memref<1x128x16xf32, #tpu.memory_space<vmem>>
    %dma_start3A_167 = tpu.memref_squeeze %dma_start3A_166 : memref<1x128x16xf32, #tpu.memory_space<vmem>> -> memref<128x16xf32, #tpu.memory_space<vmem>>
    %dma_start3A_168 = arith.constant 0 : i32
    %dma_start3A_169 = tpu.memref_slice %arg6[%dma_start3A_162, %dma_start3A_168] : memref<26x128xi32, #tpu.memory_space<vmem>> -> memref<1x128xi32, #tpu.memory_space<vmem>>
    %dma_start3A_170 = tpu.memref_squeeze %dma_start3A_169 : memref<1x128xi32, #tpu.memory_space<vmem>> -> memref<128xi32, #tpu.memory_space<vmem>>
    %dma_start3A_171 = arith.constant 0 : i32
    %dma_start3A_172 = arith.constant 0 : i32
    %dma_start3A_173 = tpu.memref_slice %arg4[%dma_start3A_171, %dma_start3A_172] : memref<1048576x16xf32, #tpu.memory_space<hbm>> -> memref<1048576x16xf32, #tpu.memory_space<hbm>>
    tpu.enqueue_indirect_dma source(%dma_start3A_173 : memref<1048576x16xf32, #tpu.memory_space<hbm>>) target(%dma_start3A_167 : memref<128x16xf32, #tpu.memory_space<vmem>>) offsets(%dma_start3A_170 : memref<128xi32, #tpu.memory_space<vmem>>) semaphore(%arg9 : memref<!tpu.dma_semaphore, #tpu.memory_space<semaphore_mem>>)
    %dma_start3A_174 = arith.constant 14 : i32
    %dma_start3A_175 = arith.constant 14 : i32
    %dma_start3A_176 = arith.constant 0 : i32
    %dma_start3A_177 = arith.constant 0 : i32
    %dma_start3A_178 = tpu.memref_slice %arg8[%dma_start3A_175, %dma_start3A_176, %dma_start3A_177] : memref<26x128x16xf32, #tpu.memory_space<vmem>> -> memref<1x128x16xf32, #tpu.memory_space<vmem>>
    %dma_start3A_179 = tpu.memref_squeeze %dma_start3A_178 : memref<1x128x16xf32, #tpu.memory_space<vmem>> -> memref<128x16xf32, #tpu.memory_space<vmem>>
    %dma_start3A_180 = arith.constant 0 : i32
    %dma_start3A_181 = tpu.memref_slice %arg6[%dma_start3A_174, %dma_start3A_180] : memref<26x128xi32, #tpu.memory_space<vmem>> -> memref<1x128xi32, #tpu.memory_space<vmem>>
    %dma_start3A_182 = tpu.memref_squeeze %dma_start3A_181 : memref<1x128xi32, #tpu.memory_space<vmem>> -> memref<128xi32, #tpu.memory_space<vmem>>
    %dma_start3A_183 = arith.constant 0 : i32
    %dma_start3A_184 = arith.constant 0 : i32
    %dma_start3A_185 = tpu.memref_slice %arg4[%dma_start3A_183, %dma_start3A_184] : memref<1048576x16xf32, #tpu.memory_space<hbm>> -> memref<1048576x16xf32, #tpu.memory_space<hbm>>
    tpu.enqueue_indirect_dma source(%dma_start3A_185 : memref<1048576x16xf32, #tpu.memory_space<hbm>>) target(%dma_start3A_179 : memref<128x16xf32, #tpu.memory_space<vmem>>) offsets(%dma_start3A_182 : memref<128xi32, #tpu.memory_space<vmem>>) semaphore(%arg9 : memref<!tpu.dma_semaphore, #tpu.memory_space<semaphore_mem>>)
    %dma_start3A_186 = arith.constant 15 : i32
    %dma_start3A_187 = arith.constant 15 : i32
    %dma_start3A_188 = arith.constant 0 : i32
    %dma_start3A_189 = arith.constant 0 : i32
    %dma_start3A_190 = tpu.memref_slice %arg8[%dma_start3A_187, %dma_start3A_188, %dma_start3A_189] : memref<26x128x16xf32, #tpu.memory_space<vmem>> -> memref<1x128x16xf32, #tpu.memory_space<vmem>>
    %dma_start3A_191 = tpu.memref_squeeze %dma_start3A_190 : memref<1x128x16xf32, #tpu.memory_space<vmem>> -> memref<128x16xf32, #tpu.memory_space<vmem>>
    %dma_start3A_192 = arith.constant 0 : i32
    %dma_start3A_193 = tpu.memref_slice %arg6[%dma_start3A_186, %dma_start3A_192] : memref<26x128xi32, #tpu.memory_space<vmem>> -> memref<1x128xi32, #tpu.memory_space<vmem>>
    %dma_start3A_194 = tpu.memref_squeeze %dma_start3A_193 : memref<1x128xi32, #tpu.memory_space<vmem>> -> memref<128xi32, #tpu.memory_space<vmem>>
    %dma_start3A_195 = arith.constant 0 : i32
    %dma_start3A_196 = arith.constant 0 : i32
    %dma_start3A_197 = tpu.memref_slice %arg4[%dma_start3A_195, %dma_start3A_196] : memref<1048576x16xf32, #tpu.memory_space<hbm>> -> memref<1048576x16xf32, #tpu.memory_space<hbm>>
    tpu.enqueue_indirect_dma source(%dma_start3A_197 : memref<1048576x16xf32, #tpu.memory_space<hbm>>) target(%dma_start3A_191 : memref<128x16xf32, #tpu.memory_space<vmem>>) offsets(%dma_start3A_194 : memref<128xi32, #tpu.memory_space<vmem>>) semaphore(%arg9 : memref<!tpu.dma_semaphore, #tpu.memory_space<semaphore_mem>>)
    %dma_start3A_198 = arith.constant 16 : i32
    %dma_start3A_199 = arith.constant 16 : i32
    %dma_start3A_200 = arith.constant 0 : i32
    %dma_start3A_201 = arith.constant 0 : i32
    %dma_start3A_202 = tpu.memref_slice %arg8[%dma_start3A_199, %dma_start3A_200, %dma_start3A_201] : memref<26x128x16xf32, #tpu.memory_space<vmem>> -> memref<1x128x16xf32, #tpu.memory_space<vmem>>
    %dma_start3A_203 = tpu.memref_squeeze %dma_start3A_202 : memref<1x128x16xf32, #tpu.memory_space<vmem>> -> memref<128x16xf32, #tpu.memory_space<vmem>>
    %dma_start3A_204 = arith.constant 0 : i32
    %dma_start3A_205 = tpu.memref_slice %arg6[%dma_start3A_198, %dma_start3A_204] : memref<26x128xi32, #tpu.memory_space<vmem>> -> memref<1x128xi32, #tpu.memory_space<vmem>>
    %dma_start3A_206 = tpu.memref_squeeze %dma_start3A_205 : memref<1x128xi32, #tpu.memory_space<vmem>> -> memref<128xi32, #tpu.memory_space<vmem>>
    %dma_start3A_207 = arith.constant 0 : i32
    %dma_start3A_208 = arith.constant 0 : i32
    %dma_start3A_209 = tpu.memref_slice %arg4[%dma_start3A_207, %dma_start3A_208] : memref<1048576x16xf32, #tpu.memory_space<hbm>> -> memref<1048576x16xf32, #tpu.memory_space<hbm>>
    tpu.enqueue_indirect_dma source(%dma_start3A_209 : memref<1048576x16xf32, #tpu.memory_space<hbm>>) target(%dma_start3A_203 : memref<128x16xf32, #tpu.memory_space<vmem>>) offsets(%dma_start3A_206 : memref<128xi32, #tpu.memory_space<vmem>>) semaphore(%arg9 : memref<!tpu.dma_semaphore, #tpu.memory_space<semaphore_mem>>)
    %dma_start3A_210 = arith.constant 17 : i32
    %dma_start3A_211 = arith.constant 17 : i32
    %dma_start3A_212 = arith.constant 0 : i32
    %dma_start3A_213 = arith.constant 0 : i32
    %dma_start3A_214 = tpu.memref_slice %arg8[%dma_start3A_211, %dma_start3A_212, %dma_start3A_213] : memref<26x128x16xf32, #tpu.memory_space<vmem>> -> memref<1x128x16xf32, #tpu.memory_space<vmem>>
    %dma_start3A_215 = tpu.memref_squeeze %dma_start3A_214 : memref<1x128x16xf32, #tpu.memory_space<vmem>> -> memref<128x16xf32, #tpu.memory_space<vmem>>
    %dma_start3A_216 = arith.constant 0 : i32
    %dma_start3A_217 = tpu.memref_slice %arg6[%dma_start3A_210, %dma_start3A_216] : memref<26x128xi32, #tpu.memory_space<vmem>> -> memref<1x128xi32, #tpu.memory_space<vmem>>
    %dma_start3A_218 = tpu.memref_squeeze %dma_start3A_217 : memref<1x128xi32, #tpu.memory_space<vmem>> -> memref<128xi32, #tpu.memory_space<vmem>>
    %dma_start3A_219 = arith.constant 0 : i32
    %dma_start3A_220 = arith.constant 0 : i32
    %dma_start3A_221 = tpu.memref_slice %arg4[%dma_start3A_219, %dma_start3A_220] : memref<1048576x16xf32, #tpu.memory_space<hbm>> -> memref<1048576x16xf32, #tpu.memory_space<hbm>>
    tpu.enqueue_indirect_dma source(%dma_start3A_221 : memref<1048576x16xf32, #tpu.memory_space<hbm>>) target(%dma_start3A_215 : memref<128x16xf32, #tpu.memory_space<vmem>>) offsets(%dma_start3A_218 : memref<128xi32, #tpu.memory_space<vmem>>) semaphore(%arg9 : memref<!tpu.dma_semaphore, #tpu.memory_space<semaphore_mem>>)
    %dma_start3A_222 = arith.constant 18 : i32
    %dma_start3A_223 = arith.constant 18 : i32
    %dma_start3A_224 = arith.constant 0 : i32
    %dma_start3A_225 = arith.constant 0 : i32
    %dma_start3A_226 = tpu.memref_slice %arg8[%dma_start3A_223, %dma_start3A_224, %dma_start3A_225] : memref<26x128x16xf32, #tpu.memory_space<vmem>> -> memref<1x128x16xf32, #tpu.memory_space<vmem>>
    %dma_start3A_227 = tpu.memref_squeeze %dma_start3A_226 : memref<1x128x16xf32, #tpu.memory_space<vmem>> -> memref<128x16xf32, #tpu.memory_space<vmem>>
    %dma_start3A_228 = arith.constant 0 : i32
    %dma_start3A_229 = tpu.memref_slice %arg6[%dma_start3A_222, %dma_start3A_228] : memref<26x128xi32, #tpu.memory_space<vmem>> -> memref<1x128xi32, #tpu.memory_space<vmem>>
    %dma_start3A_230 = tpu.memref_squeeze %dma_start3A_229 : memref<1x128xi32, #tpu.memory_space<vmem>> -> memref<128xi32, #tpu.memory_space<vmem>>
    %dma_start3A_231 = arith.constant 0 : i32
    %dma_start3A_232 = arith.constant 0 : i32
    %dma_start3A_233 = tpu.memref_slice %arg4[%dma_start3A_231, %dma_start3A_232] : memref<1048576x16xf32, #tpu.memory_space<hbm>> -> memref<1048576x16xf32, #tpu.memory_space<hbm>>
    tpu.enqueue_indirect_dma source(%dma_start3A_233 : memref<1048576x16xf32, #tpu.memory_space<hbm>>) target(%dma_start3A_227 : memref<128x16xf32, #tpu.memory_space<vmem>>) offsets(%dma_start3A_230 : memref<128xi32, #tpu.memory_space<vmem>>) semaphore(%arg9 : memref<!tpu.dma_semaphore, #tpu.memory_space<semaphore_mem>>)
    %dma_start3A_234 = arith.constant 19 : i32
    %dma_start3A_235 = arith.constant 19 : i32
    %dma_start3A_236 = arith.constant 0 : i32
    %dma_start3A_237 = arith.constant 0 : i32
    %dma_start3A_238 = tpu.memref_slice %arg8[%dma_start3A_235, %dma_start3A_236, %dma_start3A_237] : memref<26x128x16xf32, #tpu.memory_space<vmem>> -> memref<1x128x16xf32, #tpu.memory_space<vmem>>
    %dma_start3A_239 = tpu.memref_squeeze %dma_start3A_238 : memref<1x128x16xf32, #tpu.memory_space<vmem>> -> memref<128x16xf32, #tpu.memory_space<vmem>>
    %dma_start3A_240 = arith.constant 0 : i32
    %dma_start3A_241 = tpu.memref_slice %arg6[%dma_start3A_234, %dma_start3A_240] : memref<26x128xi32, #tpu.memory_space<vmem>> -> memref<1x128xi32, #tpu.memory_space<vmem>>
    %dma_start3A_242 = tpu.memref_squeeze %dma_start3A_241 : memref<1x128xi32, #tpu.memory_space<vmem>> -> memref<128xi32, #tpu.memory_space<vmem>>
    %dma_start3A_243 = arith.constant 0 : i32
    %dma_start3A_244 = arith.constant 0 : i32
    %dma_start3A_245 = tpu.memref_slice %arg4[%dma_start3A_243, %dma_start3A_244] : memref<1048576x16xf32, #tpu.memory_space<hbm>> -> memref<1048576x16xf32, #tpu.memory_space<hbm>>
    tpu.enqueue_indirect_dma source(%dma_start3A_245 : memref<1048576x16xf32, #tpu.memory_space<hbm>>) target(%dma_start3A_239 : memref<128x16xf32, #tpu.memory_space<vmem>>) offsets(%dma_start3A_242 : memref<128xi32, #tpu.memory_space<vmem>>) semaphore(%arg9 : memref<!tpu.dma_semaphore, #tpu.memory_space<semaphore_mem>>)
    %dma_start3A_246 = arith.constant 20 : i32
    %dma_start3A_247 = arith.constant 20 : i32
    %dma_start3A_248 = arith.constant 0 : i32
    %dma_start3A_249 = arith.constant 0 : i32
    %dma_start3A_250 = tpu.memref_slice %arg8[%dma_start3A_247, %dma_start3A_248, %dma_start3A_249] : memref<26x128x16xf32, #tpu.memory_space<vmem>> -> memref<1x128x16xf32, #tpu.memory_space<vmem>>
    %dma_start3A_251 = tpu.memref_squeeze %dma_start3A_250 : memref<1x128x16xf32, #tpu.memory_space<vmem>> -> memref<128x16xf32, #tpu.memory_space<vmem>>
    %dma_start3A_252 = arith.constant 0 : i32
    %dma_start3A_253 = tpu.memref_slice %arg6[%dma_start3A_246, %dma_start3A_252] : memref<26x128xi32, #tpu.memory_space<vmem>> -> memref<1x128xi32, #tpu.memory_space<vmem>>
    %dma_start3A_254 = tpu.memref_squeeze %dma_start3A_253 : memref<1x128xi32, #tpu.memory_space<vmem>> -> memref<128xi32, #tpu.memory_space<vmem>>
    %dma_start3A_255 = arith.constant 0 : i32
    %dma_start3A_256 = arith.constant 0 : i32
    %dma_start3A_257 = tpu.memref_slice %arg4[%dma_start3A_255, %dma_start3A_256] : memref<1048576x16xf32, #tpu.memory_space<hbm>> -> memref<1048576x16xf32, #tpu.memory_space<hbm>>
    tpu.enqueue_indirect_dma source(%dma_start3A_257 : memref<1048576x16xf32, #tpu.memory_space<hbm>>) target(%dma_start3A_251 : memref<128x16xf32, #tpu.memory_space<vmem>>) offsets(%dma_start3A_254 : memref<128xi32, #tpu.memory_space<vmem>>) semaphore(%arg9 : memref<!tpu.dma_semaphore, #tpu.memory_space<semaphore_mem>>)
    %dma_start3A_258 = arith.constant 21 : i32
    %dma_start3A_259 = arith.constant 21 : i32
    %dma_start3A_260 = arith.constant 0 : i32
    %dma_start3A_261 = arith.constant 0 : i32
    %dma_start3A_262 = tpu.memref_slice %arg8[%dma_start3A_259, %dma_start3A_260, %dma_start3A_261] : memref<26x128x16xf32, #tpu.memory_space<vmem>> -> memref<1x128x16xf32, #tpu.memory_space<vmem>>
    %dma_start3A_263 = tpu.memref_squeeze %dma_start3A_262 : memref<1x128x16xf32, #tpu.memory_space<vmem>> -> memref<128x16xf32, #tpu.memory_space<vmem>>
    %dma_start3A_264 = arith.constant 0 : i32
    %dma_start3A_265 = tpu.memref_slice %arg6[%dma_start3A_258, %dma_start3A_264] : memref<26x128xi32, #tpu.memory_space<vmem>> -> memref<1x128xi32, #tpu.memory_space<vmem>>
    %dma_start3A_266 = tpu.memref_squeeze %dma_start3A_265 : memref<1x128xi32, #tpu.memory_space<vmem>> -> memref<128xi32, #tpu.memory_space<vmem>>
    %dma_start3A_267 = arith.constant 0 : i32
    %dma_start3A_268 = arith.constant 0 : i32
    %dma_start3A_269 = tpu.memref_slice %arg4[%dma_start3A_267, %dma_start3A_268] : memref<1048576x16xf32, #tpu.memory_space<hbm>> -> memref<1048576x16xf32, #tpu.memory_space<hbm>>
    tpu.enqueue_indirect_dma source(%dma_start3A_269 : memref<1048576x16xf32, #tpu.memory_space<hbm>>) target(%dma_start3A_263 : memref<128x16xf32, #tpu.memory_space<vmem>>) offsets(%dma_start3A_266 : memref<128xi32, #tpu.memory_space<vmem>>) semaphore(%arg9 : memref<!tpu.dma_semaphore, #tpu.memory_space<semaphore_mem>>)
    %dma_start3A_270 = arith.constant 22 : i32
    %dma_start3A_271 = arith.constant 22 : i32
    %dma_start3A_272 = arith.constant 0 : i32
    %dma_start3A_273 = arith.constant 0 : i32
    %dma_start3A_274 = tpu.memref_slice %arg8[%dma_start3A_271, %dma_start3A_272, %dma_start3A_273] : memref<26x128x16xf32, #tpu.memory_space<vmem>> -> memref<1x128x16xf32, #tpu.memory_space<vmem>>
    %dma_start3A_275 = tpu.memref_squeeze %dma_start3A_274 : memref<1x128x16xf32, #tpu.memory_space<vmem>> -> memref<128x16xf32, #tpu.memory_space<vmem>>
    %dma_start3A_276 = arith.constant 0 : i32
    %dma_start3A_277 = tpu.memref_slice %arg6[%dma_start3A_270, %dma_start3A_276] : memref<26x128xi32, #tpu.memory_space<vmem>> -> memref<1x128xi32, #tpu.memory_space<vmem>>
    %dma_start3A_278 = tpu.memref_squeeze %dma_start3A_277 : memref<1x128xi32, #tpu.memory_space<vmem>> -> memref<128xi32, #tpu.memory_space<vmem>>
    %dma_start3A_279 = arith.constant 0 : i32
    %dma_start3A_280 = arith.constant 0 : i32
    %dma_start3A_281 = tpu.memref_slice %arg4[%dma_start3A_279, %dma_start3A_280] : memref<1048576x16xf32, #tpu.memory_space<hbm>> -> memref<1048576x16xf32, #tpu.memory_space<hbm>>
    tpu.enqueue_indirect_dma source(%dma_start3A_281 : memref<1048576x16xf32, #tpu.memory_space<hbm>>) target(%dma_start3A_275 : memref<128x16xf32, #tpu.memory_space<vmem>>) offsets(%dma_start3A_278 : memref<128xi32, #tpu.memory_space<vmem>>) semaphore(%arg9 : memref<!tpu.dma_semaphore, #tpu.memory_space<semaphore_mem>>)
    %dma_start3A_282 = arith.constant 23 : i32
    %dma_start3A_283 = arith.constant 23 : i32
    %dma_start3A_284 = arith.constant 0 : i32
    %dma_start3A_285 = arith.constant 0 : i32
    %dma_start3A_286 = tpu.memref_slice %arg8[%dma_start3A_283, %dma_start3A_284, %dma_start3A_285] : memref<26x128x16xf32, #tpu.memory_space<vmem>> -> memref<1x128x16xf32, #tpu.memory_space<vmem>>
    %dma_start3A_287 = tpu.memref_squeeze %dma_start3A_286 : memref<1x128x16xf32, #tpu.memory_space<vmem>> -> memref<128x16xf32, #tpu.memory_space<vmem>>
    %dma_start3A_288 = arith.constant 0 : i32
    %dma_start3A_289 = tpu.memref_slice %arg6[%dma_start3A_282, %dma_start3A_288] : memref<26x128xi32, #tpu.memory_space<vmem>> -> memref<1x128xi32, #tpu.memory_space<vmem>>
    %dma_start3A_290 = tpu.memref_squeeze %dma_start3A_289 : memref<1x128xi32, #tpu.memory_space<vmem>> -> memref<128xi32, #tpu.memory_space<vmem>>
    %dma_start3A_291 = arith.constant 0 : i32
    %dma_start3A_292 = arith.constant 0 : i32
    %dma_start3A_293 = tpu.memref_slice %arg4[%dma_start3A_291, %dma_start3A_292] : memref<1048576x16xf32, #tpu.memory_space<hbm>> -> memref<1048576x16xf32, #tpu.memory_space<hbm>>
    tpu.enqueue_indirect_dma source(%dma_start3A_293 : memref<1048576x16xf32, #tpu.memory_space<hbm>>) target(%dma_start3A_287 : memref<128x16xf32, #tpu.memory_space<vmem>>) offsets(%dma_start3A_290 : memref<128xi32, #tpu.memory_space<vmem>>) semaphore(%arg9 : memref<!tpu.dma_semaphore, #tpu.memory_space<semaphore_mem>>)
    %dma_start3A_294 = arith.constant 24 : i32
    %dma_start3A_295 = arith.constant 24 : i32
    %dma_start3A_296 = arith.constant 0 : i32
    %dma_start3A_297 = arith.constant 0 : i32
    %dma_start3A_298 = tpu.memref_slice %arg8[%dma_start3A_295, %dma_start3A_296, %dma_start3A_297] : memref<26x128x16xf32, #tpu.memory_space<vmem>> -> memref<1x128x16xf32, #tpu.memory_space<vmem>>
    %dma_start3A_299 = tpu.memref_squeeze %dma_start3A_298 : memref<1x128x16xf32, #tpu.memory_space<vmem>> -> memref<128x16xf32, #tpu.memory_space<vmem>>
    %dma_start3A_300 = arith.constant 0 : i32
    %dma_start3A_301 = tpu.memref_slice %arg6[%dma_start3A_294, %dma_start3A_300] : memref<26x128xi32, #tpu.memory_space<vmem>> -> memref<1x128xi32, #tpu.memory_space<vmem>>
    %dma_start3A_302 = tpu.memref_squeeze %dma_start3A_301 : memref<1x128xi32, #tpu.memory_space<vmem>> -> memref<128xi32, #tpu.memory_space<vmem>>
    %dma_start3A_303 = arith.constant 0 : i32
    %dma_start3A_304 = arith.constant 0 : i32
    %dma_start3A_305 = tpu.memref_slice %arg4[%dma_start3A_303, %dma_start3A_304] : memref<1048576x16xf32, #tpu.memory_space<hbm>> -> memref<1048576x16xf32, #tpu.memory_space<hbm>>
    tpu.enqueue_indirect_dma source(%dma_start3A_305 : memref<1048576x16xf32, #tpu.memory_space<hbm>>) target(%dma_start3A_299 : memref<128x16xf32, #tpu.memory_space<vmem>>) offsets(%dma_start3A_302 : memref<128xi32, #tpu.memory_space<vmem>>) semaphore(%arg9 : memref<!tpu.dma_semaphore, #tpu.memory_space<semaphore_mem>>)
    %dma_start3A_306 = arith.constant 25 : i32
    %dma_start3A_307 = arith.constant 25 : i32
    %dma_start3A_308 = arith.constant 0 : i32
    %dma_start3A_309 = arith.constant 0 : i32
    %dma_start3A_310 = tpu.memref_slice %arg8[%dma_start3A_307, %dma_start3A_308, %dma_start3A_309] : memref<26x128x16xf32, #tpu.memory_space<vmem>> -> memref<1x128x16xf32, #tpu.memory_space<vmem>>
    %dma_start3A_311 = tpu.memref_squeeze %dma_start3A_310 : memref<1x128x16xf32, #tpu.memory_space<vmem>> -> memref<128x16xf32, #tpu.memory_space<vmem>>
    %dma_start3A_312 = arith.constant 0 : i32
    %dma_start3A_313 = tpu.memref_slice %arg6[%dma_start3A_306, %dma_start3A_312] : memref<26x128xi32, #tpu.memory_space<vmem>> -> memref<1x128xi32, #tpu.memory_space<vmem>>
    %dma_start3A_314 = tpu.memref_squeeze %dma_start3A_313 : memref<1x128xi32, #tpu.memory_space<vmem>> -> memref<128xi32, #tpu.memory_space<vmem>>
    %dma_start3A_315 = arith.constant 0 : i32
    %dma_start3A_316 = arith.constant 0 : i32
    %dma_start3A_317 = tpu.memref_slice %arg4[%dma_start3A_315, %dma_start3A_316] : memref<1048576x16xf32, #tpu.memory_space<hbm>> -> memref<1048576x16xf32, #tpu.memory_space<hbm>>
    tpu.enqueue_indirect_dma source(%dma_start3A_317 : memref<1048576x16xf32, #tpu.memory_space<hbm>>) target(%dma_start3A_311 : memref<128x16xf32, #tpu.memory_space<vmem>>) offsets(%dma_start3A_314 : memref<128xi32, #tpu.memory_space<vmem>>) semaphore(%arg9 : memref<!tpu.dma_semaphore, #tpu.memory_space<semaphore_mem>>)
    %scan3A_318 = arith.constant 0 : i32
    %scan3A_319 = arith.constant 0 : i32
    %scan3A_320 = arith.constant 26 : i32
    %scan3A_321 = arith.addi %scan3A_319, %scan3A_320 : i32
    %scan3A_322 = arith.constant 1 : i32
    scf.for %scan3A_642 = %scan3A_319 to %scan3A_321 step %scan3A_322  : i32 {
      %dma_wait3A = arith.constant 0 : i32
      %dma_wait3A_643 = arith.constant 0 : i32
      %dma_wait3A_644 = arith.constant 0 : i32
      %dma_wait3A_645 = arith.constant 0 : i32
      %dma_wait3A_646 = tpu.memref_slice %arg8[%dma_wait3A_643, %dma_wait3A_644, %dma_wait3A_645] : memref<26x128x16xf32, #tpu.memory_space<vmem>> -> memref<1x128x16xf32, #tpu.memory_space<vmem>>
      %dma_wait3A_647 = tpu.memref_squeeze %dma_wait3A_646 : memref<1x128x16xf32, #tpu.memory_space<vmem>> -> memref<128x16xf32, #tpu.memory_space<vmem>>
      %dma_wait3A_648 = arith.constant 0 : i32
      %dma_wait3A_649 = tpu.memref_slice %arg6[%dma_wait3A, %dma_wait3A_648] : memref<26x128xi32, #tpu.memory_space<vmem>> -> memref<1x128xi32, #tpu.memory_space<vmem>>
      %dma_wait3A_650 = tpu.memref_squeeze %dma_wait3A_649 : memref<1x128xi32, #tpu.memory_space<vmem>> -> memref<128xi32, #tpu.memory_space<vmem>>
      %dma_wait3A_651 = arith.constant 0 : i32
      %dma_wait3A_652 = arith.constant 0 : i32
      %dma_wait3A_653 = tpu.memref_slice %arg4[%dma_wait3A_651, %dma_wait3A_652] : memref<1048576x16xf32, #tpu.memory_space<hbm>> -> memref<1048576x16xf32, #tpu.memory_space<hbm>>
      tpu.wait_indirect_dma semaphore(%arg9 : memref<!tpu.dma_semaphore, #tpu.memory_space<semaphore_mem>>) src(%dma_wait3A_653 : memref<1048576x16xf32, #tpu.memory_space<hbm>>) dst(%dma_wait3A_647 : memref<128x16xf32, #tpu.memory_space<vmem>>)
    }
    %scan3A_323 = arith.constant 26 : i32
    %dma_start3A_324 = arith.constant 0 : i32
    %dma_start3A_325 = arith.constant 0 : i32
    %dma_start3A_326 = arith.constant 0 : i32
    %dma_start3A_327 = arith.constant 0 : i32
    %dma_start3A_328 = tpu.memref_slice %arg8[%dma_start3A_324, %dma_start3A_326, %dma_start3A_327] : memref<26x128x16xf32, #tpu.memory_space<vmem>> -> memref<1x128x16xf32, #tpu.memory_space<vmem>>
    %dma_start3A_329 = tpu.memref_squeeze %dma_start3A_328 : memref<1x128x16xf32, #tpu.memory_space<vmem>> -> memref<128x16xf32, #tpu.memory_space<vmem>>
    %dma_start3A_330 = arith.constant 0 : i32
    %dma_start3A_331 = tpu.memref_slice %arg7[%dma_start3A_325, %dma_start3A_330] : memref<26x128xi32, #tpu.memory_space<vmem>> -> memref<1x128xi32, #tpu.memory_space<vmem>>
    %dma_start3A_332 = tpu.memref_squeeze %dma_start3A_331 : memref<1x128xi32, #tpu.memory_space<vmem>> -> memref<128xi32, #tpu.memory_space<vmem>>
    %dma_start3A_333 = arith.constant 0 : i32
    %dma_start3A_334 = arith.constant 0 : i32
    %dma_start3A_335 = tpu.memref_slice %arg5[%dma_start3A_333, %dma_start3A_334] : memref<131072x16xf32, #tpu.memory_space<hbm>> -> memref<131072x16xf32, #tpu.memory_space<hbm>>
    tpu.enqueue_indirect_dma source(%dma_start3A_329 : memref<128x16xf32, #tpu.memory_space<vmem>>) target(%dma_start3A_335 : memref<131072x16xf32, #tpu.memory_space<hbm>>) offsets(%dma_start3A_332 : memref<128xi32, #tpu.memory_space<vmem>>) semaphore(%arg9 : memref<!tpu.dma_semaphore, #tpu.memory_space<semaphore_mem>>)
    %dma_start3A_336 = arith.constant 1 : i32
    %dma_start3A_337 = arith.constant 1 : i32
    %dma_start3A_338 = arith.constant 0 : i32
    %dma_start3A_339 = arith.constant 0 : i32
    %dma_start3A_340 = tpu.memref_slice %arg8[%dma_start3A_336, %dma_start3A_338, %dma_start3A_339] : memref<26x128x16xf32, #tpu.memory_space<vmem>> -> memref<1x128x16xf32, #tpu.memory_space<vmem>>
    %dma_start3A_341 = tpu.memref_squeeze %dma_start3A_340 : memref<1x128x16xf32, #tpu.memory_space<vmem>> -> memref<128x16xf32, #tpu.memory_space<vmem>>
    %dma_start3A_342 = arith.constant 0 : i32
    %dma_start3A_343 = tpu.memref_slice %arg7[%dma_start3A_337, %dma_start3A_342] : memref<26x128xi32, #tpu.memory_space<vmem>> -> memref<1x128xi32, #tpu.memory_space<vmem>>
    %dma_start3A_344 = tpu.memref_squeeze %dma_start3A_343 : memref<1x128xi32, #tpu.memory_space<vmem>> -> memref<128xi32, #tpu.memory_space<vmem>>
    %dma_start3A_345 = arith.constant 0 : i32
    %dma_start3A_346 = arith.constant 0 : i32
    %dma_start3A_347 = tpu.memref_slice %arg5[%dma_start3A_345, %dma_start3A_346] : memref<131072x16xf32, #tpu.memory_space<hbm>> -> memref<131072x16xf32, #tpu.memory_space<hbm>>
    tpu.enqueue_indirect_dma source(%dma_start3A_341 : memref<128x16xf32, #tpu.memory_space<vmem>>) target(%dma_start3A_347 : memref<131072x16xf32, #tpu.memory_space<hbm>>) offsets(%dma_start3A_344 : memref<128xi32, #tpu.memory_space<vmem>>) semaphore(%arg9 : memref<!tpu.dma_semaphore, #tpu.memory_space<semaphore_mem>>)
    %dma_start3A_348 = arith.constant 2 : i32
    %dma_start3A_349 = arith.constant 2 : i32
    %dma_start3A_350 = arith.constant 0 : i32
    %dma_start3A_351 = arith.constant 0 : i32
    %dma_start3A_352 = tpu.memref_slice %arg8[%dma_start3A_348, %dma_start3A_350, %dma_start3A_351] : memref<26x128x16xf32, #tpu.memory_space<vmem>> -> memref<1x128x16xf32, #tpu.memory_space<vmem>>
    %dma_start3A_353 = tpu.memref_squeeze %dma_start3A_352 : memref<1x128x16xf32, #tpu.memory_space<vmem>> -> memref<128x16xf32, #tpu.memory_space<vmem>>
    %dma_start3A_354 = arith.constant 0 : i32
    %dma_start3A_355 = tpu.memref_slice %arg7[%dma_start3A_349, %dma_start3A_354] : memref<26x128xi32, #tpu.memory_space<vmem>> -> memref<1x128xi32, #tpu.memory_space<vmem>>
    %dma_start3A_356 = tpu.memref_squeeze %dma_start3A_355 : memref<1x128xi32, #tpu.memory_space<vmem>> -> memref<128xi32, #tpu.memory_space<vmem>>
    %dma_start3A_357 = arith.constant 0 : i32
    %dma_start3A_358 = arith.constant 0 : i32
    %dma_start3A_359 = tpu.memref_slice %arg5[%dma_start3A_357, %dma_start3A_358] : memref<131072x16xf32, #tpu.memory_space<hbm>> -> memref<131072x16xf32, #tpu.memory_space<hbm>>
    tpu.enqueue_indirect_dma source(%dma_start3A_353 : memref<128x16xf32, #tpu.memory_space<vmem>>) target(%dma_start3A_359 : memref<131072x16xf32, #tpu.memory_space<hbm>>) offsets(%dma_start3A_356 : memref<128xi32, #tpu.memory_space<vmem>>) semaphore(%arg9 : memref<!tpu.dma_semaphore, #tpu.memory_space<semaphore_mem>>)
    %dma_start3A_360 = arith.constant 3 : i32
    %dma_start3A_361 = arith.constant 3 : i32
    %dma_start3A_362 = arith.constant 0 : i32
    %dma_start3A_363 = arith.constant 0 : i32
    %dma_start3A_364 = tpu.memref_slice %arg8[%dma_start3A_360, %dma_start3A_362, %dma_start3A_363] : memref<26x128x16xf32, #tpu.memory_space<vmem>> -> memref<1x128x16xf32, #tpu.memory_space<vmem>>
    %dma_start3A_365 = tpu.memref_squeeze %dma_start3A_364 : memref<1x128x16xf32, #tpu.memory_space<vmem>> -> memref<128x16xf32, #tpu.memory_space<vmem>>
    %dma_start3A_366 = arith.constant 0 : i32
    %dma_start3A_367 = tpu.memref_slice %arg7[%dma_start3A_361, %dma_start3A_366] : memref<26x128xi32, #tpu.memory_space<vmem>> -> memref<1x128xi32, #tpu.memory_space<vmem>>
    %dma_start3A_368 = tpu.memref_squeeze %dma_start3A_367 : memref<1x128xi32, #tpu.memory_space<vmem>> -> memref<128xi32, #tpu.memory_space<vmem>>
    %dma_start3A_369 = arith.constant 0 : i32
    %dma_start3A_370 = arith.constant 0 : i32
    %dma_start3A_371 = tpu.memref_slice %arg5[%dma_start3A_369, %dma_start3A_370] : memref<131072x16xf32, #tpu.memory_space<hbm>> -> memref<131072x16xf32, #tpu.memory_space<hbm>>
    tpu.enqueue_indirect_dma source(%dma_start3A_365 : memref<128x16xf32, #tpu.memory_space<vmem>>) target(%dma_start3A_371 : memref<131072x16xf32, #tpu.memory_space<hbm>>) offsets(%dma_start3A_368 : memref<128xi32, #tpu.memory_space<vmem>>) semaphore(%arg9 : memref<!tpu.dma_semaphore, #tpu.memory_space<semaphore_mem>>)
    %dma_start3A_372 = arith.constant 4 : i32
    %dma_start3A_373 = arith.constant 4 : i32
    %dma_start3A_374 = arith.constant 0 : i32
    %dma_start3A_375 = arith.constant 0 : i32
    %dma_start3A_376 = tpu.memref_slice %arg8[%dma_start3A_372, %dma_start3A_374, %dma_start3A_375] : memref<26x128x16xf32, #tpu.memory_space<vmem>> -> memref<1x128x16xf32, #tpu.memory_space<vmem>>
    %dma_start3A_377 = tpu.memref_squeeze %dma_start3A_376 : memref<1x128x16xf32, #tpu.memory_space<vmem>> -> memref<128x16xf32, #tpu.memory_space<vmem>>
    %dma_start3A_378 = arith.constant 0 : i32
    %dma_start3A_379 = tpu.memref_slice %arg7[%dma_start3A_373, %dma_start3A_378] : memref<26x128xi32, #tpu.memory_space<vmem>> -> memref<1x128xi32, #tpu.memory_space<vmem>>
    %dma_start3A_380 = tpu.memref_squeeze %dma_start3A_379 : memref<1x128xi32, #tpu.memory_space<vmem>> -> memref<128xi32, #tpu.memory_space<vmem>>
    %dma_start3A_381 = arith.constant 0 : i32
    %dma_start3A_382 = arith.constant 0 : i32
    %dma_start3A_383 = tpu.memref_slice %arg5[%dma_start3A_381, %dma_start3A_382] : memref<131072x16xf32, #tpu.memory_space<hbm>> -> memref<131072x16xf32, #tpu.memory_space<hbm>>
    tpu.enqueue_indirect_dma source(%dma_start3A_377 : memref<128x16xf32, #tpu.memory_space<vmem>>) target(%dma_start3A_383 : memref<131072x16xf32, #tpu.memory_space<hbm>>) offsets(%dma_start3A_380 : memref<128xi32, #tpu.memory_space<vmem>>) semaphore(%arg9 : memref<!tpu.dma_semaphore, #tpu.memory_space<semaphore_mem>>)
    %dma_start3A_384 = arith.constant 5 : i32
    %dma_start3A_385 = arith.constant 5 : i32
    %dma_start3A_386 = arith.constant 0 : i32
    %dma_start3A_387 = arith.constant 0 : i32
    %dma_start3A_388 = tpu.memref_slice %arg8[%dma_start3A_384, %dma_start3A_386, %dma_start3A_387] : memref<26x128x16xf32, #tpu.memory_space<vmem>> -> memref<1x128x16xf32, #tpu.memory_space<vmem>>
    %dma_start3A_389 = tpu.memref_squeeze %dma_start3A_388 : memref<1x128x16xf32, #tpu.memory_space<vmem>> -> memref<128x16xf32, #tpu.memory_space<vmem>>
    %dma_start3A_390 = arith.constant 0 : i32
    %dma_start3A_391 = tpu.memref_slice %arg7[%dma_start3A_385, %dma_start3A_390] : memref<26x128xi32, #tpu.memory_space<vmem>> -> memref<1x128xi32, #tpu.memory_space<vmem>>
    %dma_start3A_392 = tpu.memref_squeeze %dma_start3A_391 : memref<1x128xi32, #tpu.memory_space<vmem>> -> memref<128xi32, #tpu.memory_space<vmem>>
    %dma_start3A_393 = arith.constant 0 : i32
    %dma_start3A_394 = arith.constant 0 : i32
    %dma_start3A_395 = tpu.memref_slice %arg5[%dma_start3A_393, %dma_start3A_394] : memref<131072x16xf32, #tpu.memory_space<hbm>> -> memref<131072x16xf32, #tpu.memory_space<hbm>>
    tpu.enqueue_indirect_dma source(%dma_start3A_389 : memref<128x16xf32, #tpu.memory_space<vmem>>) target(%dma_start3A_395 : memref<131072x16xf32, #tpu.memory_space<hbm>>) offsets(%dma_start3A_392 : memref<128xi32, #tpu.memory_space<vmem>>) semaphore(%arg9 : memref<!tpu.dma_semaphore, #tpu.memory_space<semaphore_mem>>)
    %dma_start3A_396 = arith.constant 6 : i32
    %dma_start3A_397 = arith.constant 6 : i32
    %dma_start3A_398 = arith.constant 0 : i32
    %dma_start3A_399 = arith.constant 0 : i32
    %dma_start3A_400 = tpu.memref_slice %arg8[%dma_start3A_396, %dma_start3A_398, %dma_start3A_399] : memref<26x128x16xf32, #tpu.memory_space<vmem>> -> memref<1x128x16xf32, #tpu.memory_space<vmem>>
    %dma_start3A_401 = tpu.memref_squeeze %dma_start3A_400 : memref<1x128x16xf32, #tpu.memory_space<vmem>> -> memref<128x16xf32, #tpu.memory_space<vmem>>
    %dma_start3A_402 = arith.constant 0 : i32
    %dma_start3A_403 = tpu.memref_slice %arg7[%dma_start3A_397, %dma_start3A_402] : memref<26x128xi32, #tpu.memory_space<vmem>> -> memref<1x128xi32, #tpu.memory_space<vmem>>
    %dma_start3A_404 = tpu.memref_squeeze %dma_start3A_403 : memref<1x128xi32, #tpu.memory_space<vmem>> -> memref<128xi32, #tpu.memory_space<vmem>>
    %dma_start3A_405 = arith.constant 0 : i32
    %dma_start3A_406 = arith.constant 0 : i32
    %dma_start3A_407 = tpu.memref_slice %arg5[%dma_start3A_405, %dma_start3A_406] : memref<131072x16xf32, #tpu.memory_space<hbm>> -> memref<131072x16xf32, #tpu.memory_space<hbm>>
    tpu.enqueue_indirect_dma source(%dma_start3A_401 : memref<128x16xf32, #tpu.memory_space<vmem>>) target(%dma_start3A_407 : memref<131072x16xf32, #tpu.memory_space<hbm>>) offsets(%dma_start3A_404 : memref<128xi32, #tpu.memory_space<vmem>>) semaphore(%arg9 : memref<!tpu.dma_semaphore, #tpu.memory_space<semaphore_mem>>)
    %dma_start3A_408 = arith.constant 7 : i32
    %dma_start3A_409 = arith.constant 7 : i32
    %dma_start3A_410 = arith.constant 0 : i32
    %dma_start3A_411 = arith.constant 0 : i32
    %dma_start3A_412 = tpu.memref_slice %arg8[%dma_start3A_408, %dma_start3A_410, %dma_start3A_411] : memref<26x128x16xf32, #tpu.memory_space<vmem>> -> memref<1x128x16xf32, #tpu.memory_space<vmem>>
    %dma_start3A_413 = tpu.memref_squeeze %dma_start3A_412 : memref<1x128x16xf32, #tpu.memory_space<vmem>> -> memref<128x16xf32, #tpu.memory_space<vmem>>
    %dma_start3A_414 = arith.constant 0 : i32
    %dma_start3A_415 = tpu.memref_slice %arg7[%dma_start3A_409, %dma_start3A_414] : memref<26x128xi32, #tpu.memory_space<vmem>> -> memref<1x128xi32, #tpu.memory_space<vmem>>
    %dma_start3A_416 = tpu.memref_squeeze %dma_start3A_415 : memref<1x128xi32, #tpu.memory_space<vmem>> -> memref<128xi32, #tpu.memory_space<vmem>>
    %dma_start3A_417 = arith.constant 0 : i32
    %dma_start3A_418 = arith.constant 0 : i32
    %dma_start3A_419 = tpu.memref_slice %arg5[%dma_start3A_417, %dma_start3A_418] : memref<131072x16xf32, #tpu.memory_space<hbm>> -> memref<131072x16xf32, #tpu.memory_space<hbm>>
    tpu.enqueue_indirect_dma source(%dma_start3A_413 : memref<128x16xf32, #tpu.memory_space<vmem>>) target(%dma_start3A_419 : memref<131072x16xf32, #tpu.memory_space<hbm>>) offsets(%dma_start3A_416 : memref<128xi32, #tpu.memory_space<vmem>>) semaphore(%arg9 : memref<!tpu.dma_semaphore, #tpu.memory_space<semaphore_mem>>)
    %dma_start3A_420 = arith.constant 8 : i32
    %dma_start3A_421 = arith.constant 8 : i32
    %dma_start3A_422 = arith.constant 0 : i32
    %dma_start3A_423 = arith.constant 0 : i32
    %dma_start3A_424 = tpu.memref_slice %arg8[%dma_start3A_420, %dma_start3A_422, %dma_start3A_423] : memref<26x128x16xf32, #tpu.memory_space<vmem>> -> memref<1x128x16xf32, #tpu.memory_space<vmem>>
    %dma_start3A_425 = tpu.memref_squeeze %dma_start3A_424 : memref<1x128x16xf32, #tpu.memory_space<vmem>> -> memref<128x16xf32, #tpu.memory_space<vmem>>
    %dma_start3A_426 = arith.constant 0 : i32
    %dma_start3A_427 = tpu.memref_slice %arg7[%dma_start3A_421, %dma_start3A_426] : memref<26x128xi32, #tpu.memory_space<vmem>> -> memref<1x128xi32, #tpu.memory_space<vmem>>
    %dma_start3A_428 = tpu.memref_squeeze %dma_start3A_427 : memref<1x128xi32, #tpu.memory_space<vmem>> -> memref<128xi32, #tpu.memory_space<vmem>>
    %dma_start3A_429 = arith.constant 0 : i32
    %dma_start3A_430 = arith.constant 0 : i32
    %dma_start3A_431 = tpu.memref_slice %arg5[%dma_start3A_429, %dma_start3A_430] : memref<131072x16xf32, #tpu.memory_space<hbm>> -> memref<131072x16xf32, #tpu.memory_space<hbm>>
    tpu.enqueue_indirect_dma source(%dma_start3A_425 : memref<128x16xf32, #tpu.memory_space<vmem>>) target(%dma_start3A_431 : memref<131072x16xf32, #tpu.memory_space<hbm>>) offsets(%dma_start3A_428 : memref<128xi32, #tpu.memory_space<vmem>>) semaphore(%arg9 : memref<!tpu.dma_semaphore, #tpu.memory_space<semaphore_mem>>)
    %dma_start3A_432 = arith.constant 9 : i32
    %dma_start3A_433 = arith.constant 9 : i32
    %dma_start3A_434 = arith.constant 0 : i32
    %dma_start3A_435 = arith.constant 0 : i32
    %dma_start3A_436 = tpu.memref_slice %arg8[%dma_start3A_432, %dma_start3A_434, %dma_start3A_435] : memref<26x128x16xf32, #tpu.memory_space<vmem>> -> memref<1x128x16xf32, #tpu.memory_space<vmem>>
    %dma_start3A_437 = tpu.memref_squeeze %dma_start3A_436 : memref<1x128x16xf32, #tpu.memory_space<vmem>> -> memref<128x16xf32, #tpu.memory_space<vmem>>
    %dma_start3A_438 = arith.constant 0 : i32
    %dma_start3A_439 = tpu.memref_slice %arg7[%dma_start3A_433, %dma_start3A_438] : memref<26x128xi32, #tpu.memory_space<vmem>> -> memref<1x128xi32, #tpu.memory_space<vmem>>
    %dma_start3A_440 = tpu.memref_squeeze %dma_start3A_439 : memref<1x128xi32, #tpu.memory_space<vmem>> -> memref<128xi32, #tpu.memory_space<vmem>>
    %dma_start3A_441 = arith.constant 0 : i32
    %dma_start3A_442 = arith.constant 0 : i32
    %dma_start3A_443 = tpu.memref_slice %arg5[%dma_start3A_441, %dma_start3A_442] : memref<131072x16xf32, #tpu.memory_space<hbm>> -> memref<131072x16xf32, #tpu.memory_space<hbm>>
    tpu.enqueue_indirect_dma source(%dma_start3A_437 : memref<128x16xf32, #tpu.memory_space<vmem>>) target(%dma_start3A_443 : memref<131072x16xf32, #tpu.memory_space<hbm>>) offsets(%dma_start3A_440 : memref<128xi32, #tpu.memory_space<vmem>>) semaphore(%arg9 : memref<!tpu.dma_semaphore, #tpu.memory_space<semaphore_mem>>)
    %dma_start3A_444 = arith.constant 10 : i32
    %dma_start3A_445 = arith.constant 10 : i32
    %dma_start3A_446 = arith.constant 0 : i32
    %dma_start3A_447 = arith.constant 0 : i32
    %dma_start3A_448 = tpu.memref_slice %arg8[%dma_start3A_444, %dma_start3A_446, %dma_start3A_447] : memref<26x128x16xf32, #tpu.memory_space<vmem>> -> memref<1x128x16xf32, #tpu.memory_space<vmem>>
    %dma_start3A_449 = tpu.memref_squeeze %dma_start3A_448 : memref<1x128x16xf32, #tpu.memory_space<vmem>> -> memref<128x16xf32, #tpu.memory_space<vmem>>
    %dma_start3A_450 = arith.constant 0 : i32
    %dma_start3A_451 = tpu.memref_slice %arg7[%dma_start3A_445, %dma_start3A_450] : memref<26x128xi32, #tpu.memory_space<vmem>> -> memref<1x128xi32, #tpu.memory_space<vmem>>
    %dma_start3A_452 = tpu.memref_squeeze %dma_start3A_451 : memref<1x128xi32, #tpu.memory_space<vmem>> -> memref<128xi32, #tpu.memory_space<vmem>>
    %dma_start3A_453 = arith.constant 0 : i32
    %dma_start3A_454 = arith.constant 0 : i32
    %dma_start3A_455 = tpu.memref_slice %arg5[%dma_start3A_453, %dma_start3A_454] : memref<131072x16xf32, #tpu.memory_space<hbm>> -> memref<131072x16xf32, #tpu.memory_space<hbm>>
    tpu.enqueue_indirect_dma source(%dma_start3A_449 : memref<128x16xf32, #tpu.memory_space<vmem>>) target(%dma_start3A_455 : memref<131072x16xf32, #tpu.memory_space<hbm>>) offsets(%dma_start3A_452 : memref<128xi32, #tpu.memory_space<vmem>>) semaphore(%arg9 : memref<!tpu.dma_semaphore, #tpu.memory_space<semaphore_mem>>)
    %dma_start3A_456 = arith.constant 11 : i32
    %dma_start3A_457 = arith.constant 11 : i32
    %dma_start3A_458 = arith.constant 0 : i32
    %dma_start3A_459 = arith.constant 0 : i32
    %dma_start3A_460 = tpu.memref_slice %arg8[%dma_start3A_456, %dma_start3A_458, %dma_start3A_459] : memref<26x128x16xf32, #tpu.memory_space<vmem>> -> memref<1x128x16xf32, #tpu.memory_space<vmem>>
    %dma_start3A_461 = tpu.memref_squeeze %dma_start3A_460 : memref<1x128x16xf32, #tpu.memory_space<vmem>> -> memref<128x16xf32, #tpu.memory_space<vmem>>
    %dma_start3A_462 = arith.constant 0 : i32
    %dma_start3A_463 = tpu.memref_slice %arg7[%dma_start3A_457, %dma_start3A_462] : memref<26x128xi32, #tpu.memory_space<vmem>> -> memref<1x128xi32, #tpu.memory_space<vmem>>
    %dma_start3A_464 = tpu.memref_squeeze %dma_start3A_463 : memref<1x128xi32, #tpu.memory_space<vmem>> -> memref<128xi32, #tpu.memory_space<vmem>>
    %dma_start3A_465 = arith.constant 0 : i32
    %dma_start3A_466 = arith.constant 0 : i32
    %dma_start3A_467 = tpu.memref_slice %arg5[%dma_start3A_465, %dma_start3A_466] : memref<131072x16xf32, #tpu.memory_space<hbm>> -> memref<131072x16xf32, #tpu.memory_space<hbm>>
    tpu.enqueue_indirect_dma source(%dma_start3A_461 : memref<128x16xf32, #tpu.memory_space<vmem>>) target(%dma_start3A_467 : memref<131072x16xf32, #tpu.memory_space<hbm>>) offsets(%dma_start3A_464 : memref<128xi32, #tpu.memory_space<vmem>>) semaphore(%arg9 : memref<!tpu.dma_semaphore, #tpu.memory_space<semaphore_mem>>)
    %dma_start3A_468 = arith.constant 12 : i32
    %dma_start3A_469 = arith.constant 12 : i32
    %dma_start3A_470 = arith.constant 0 : i32
    %dma_start3A_471 = arith.constant 0 : i32
    %dma_start3A_472 = tpu.memref_slice %arg8[%dma_start3A_468, %dma_start3A_470, %dma_start3A_471] : memref<26x128x16xf32, #tpu.memory_space<vmem>> -> memref<1x128x16xf32, #tpu.memory_space<vmem>>
    %dma_start3A_473 = tpu.memref_squeeze %dma_start3A_472 : memref<1x128x16xf32, #tpu.memory_space<vmem>> -> memref<128x16xf32, #tpu.memory_space<vmem>>
    %dma_start3A_474 = arith.constant 0 : i32
    %dma_start3A_475 = tpu.memref_slice %arg7[%dma_start3A_469, %dma_start3A_474] : memref<26x128xi32, #tpu.memory_space<vmem>> -> memref<1x128xi32, #tpu.memory_space<vmem>>
    %dma_start3A_476 = tpu.memref_squeeze %dma_start3A_475 : memref<1x128xi32, #tpu.memory_space<vmem>> -> memref<128xi32, #tpu.memory_space<vmem>>
    %dma_start3A_477 = arith.constant 0 : i32
    %dma_start3A_478 = arith.constant 0 : i32
    %dma_start3A_479 = tpu.memref_slice %arg5[%dma_start3A_477, %dma_start3A_478] : memref<131072x16xf32, #tpu.memory_space<hbm>> -> memref<131072x16xf32, #tpu.memory_space<hbm>>
    tpu.enqueue_indirect_dma source(%dma_start3A_473 : memref<128x16xf32, #tpu.memory_space<vmem>>) target(%dma_start3A_479 : memref<131072x16xf32, #tpu.memory_space<hbm>>) offsets(%dma_start3A_476 : memref<128xi32, #tpu.memory_space<vmem>>) semaphore(%arg9 : memref<!tpu.dma_semaphore, #tpu.memory_space<semaphore_mem>>)
    %dma_start3A_480 = arith.constant 13 : i32
    %dma_start3A_481 = arith.constant 13 : i32
    %dma_start3A_482 = arith.constant 0 : i32
    %dma_start3A_483 = arith.constant 0 : i32
    %dma_start3A_484 = tpu.memref_slice %arg8[%dma_start3A_480, %dma_start3A_482, %dma_start3A_483] : memref<26x128x16xf32, #tpu.memory_space<vmem>> -> memref<1x128x16xf32, #tpu.memory_space<vmem>>
    %dma_start3A_485 = tpu.memref_squeeze %dma_start3A_484 : memref<1x128x16xf32, #tpu.memory_space<vmem>> -> memref<128x16xf32, #tpu.memory_space<vmem>>
    %dma_start3A_486 = arith.constant 0 : i32
    %dma_start3A_487 = tpu.memref_slice %arg7[%dma_start3A_481, %dma_start3A_486] : memref<26x128xi32, #tpu.memory_space<vmem>> -> memref<1x128xi32, #tpu.memory_space<vmem>>
    %dma_start3A_488 = tpu.memref_squeeze %dma_start3A_487 : memref<1x128xi32, #tpu.memory_space<vmem>> -> memref<128xi32, #tpu.memory_space<vmem>>
    %dma_start3A_489 = arith.constant 0 : i32
    %dma_start3A_490 = arith.constant 0 : i32
    %dma_start3A_491 = tpu.memref_slice %arg5[%dma_start3A_489, %dma_start3A_490] : memref<131072x16xf32, #tpu.memory_space<hbm>> -> memref<131072x16xf32, #tpu.memory_space<hbm>>
    tpu.enqueue_indirect_dma source(%dma_start3A_485 : memref<128x16xf32, #tpu.memory_space<vmem>>) target(%dma_start3A_491 : memref<131072x16xf32, #tpu.memory_space<hbm>>) offsets(%dma_start3A_488 : memref<128xi32, #tpu.memory_space<vmem>>) semaphore(%arg9 : memref<!tpu.dma_semaphore, #tpu.memory_space<semaphore_mem>>)
    %dma_start3A_492 = arith.constant 14 : i32
    %dma_start3A_493 = arith.constant 14 : i32
    %dma_start3A_494 = arith.constant 0 : i32
    %dma_start3A_495 = arith.constant 0 : i32
    %dma_start3A_496 = tpu.memref_slice %arg8[%dma_start3A_492, %dma_start3A_494, %dma_start3A_495] : memref<26x128x16xf32, #tpu.memory_space<vmem>> -> memref<1x128x16xf32, #tpu.memory_space<vmem>>
    %dma_start3A_497 = tpu.memref_squeeze %dma_start3A_496 : memref<1x128x16xf32, #tpu.memory_space<vmem>> -> memref<128x16xf32, #tpu.memory_space<vmem>>
    %dma_start3A_498 = arith.constant 0 : i32
    %dma_start3A_499 = tpu.memref_slice %arg7[%dma_start3A_493, %dma_start3A_498] : memref<26x128xi32, #tpu.memory_space<vmem>> -> memref<1x128xi32, #tpu.memory_space<vmem>>
    %dma_start3A_500 = tpu.memref_squeeze %dma_start3A_499 : memref<1x128xi32, #tpu.memory_space<vmem>> -> memref<128xi32, #tpu.memory_space<vmem>>
    %dma_start3A_501 = arith.constant 0 : i32
    %dma_start3A_502 = arith.constant 0 : i32
    %dma_start3A_503 = tpu.memref_slice %arg5[%dma_start3A_501, %dma_start3A_502] : memref<131072x16xf32, #tpu.memory_space<hbm>> -> memref<131072x16xf32, #tpu.memory_space<hbm>>
    tpu.enqueue_indirect_dma source(%dma_start3A_497 : memref<128x16xf32, #tpu.memory_space<vmem>>) target(%dma_start3A_503 : memref<131072x16xf32, #tpu.memory_space<hbm>>) offsets(%dma_start3A_500 : memref<128xi32, #tpu.memory_space<vmem>>) semaphore(%arg9 : memref<!tpu.dma_semaphore, #tpu.memory_space<semaphore_mem>>)
    %dma_start3A_504 = arith.constant 15 : i32
    %dma_start3A_505 = arith.constant 15 : i32
    %dma_start3A_506 = arith.constant 0 : i32
    %dma_start3A_507 = arith.constant 0 : i32
    %dma_start3A_508 = tpu.memref_slice %arg8[%dma_start3A_504, %dma_start3A_506, %dma_start3A_507] : memref<26x128x16xf32, #tpu.memory_space<vmem>> -> memref<1x128x16xf32, #tpu.memory_space<vmem>>
    %dma_start3A_509 = tpu.memref_squeeze %dma_start3A_508 : memref<1x128x16xf32, #tpu.memory_space<vmem>> -> memref<128x16xf32, #tpu.memory_space<vmem>>
    %dma_start3A_510 = arith.constant 0 : i32
    %dma_start3A_511 = tpu.memref_slice %arg7[%dma_start3A_505, %dma_start3A_510] : memref<26x128xi32, #tpu.memory_space<vmem>> -> memref<1x128xi32, #tpu.memory_space<vmem>>
    %dma_start3A_512 = tpu.memref_squeeze %dma_start3A_511 : memref<1x128xi32, #tpu.memory_space<vmem>> -> memref<128xi32, #tpu.memory_space<vmem>>
    %dma_start3A_513 = arith.constant 0 : i32
    %dma_start3A_514 = arith.constant 0 : i32
    %dma_start3A_515 = tpu.memref_slice %arg5[%dma_start3A_513, %dma_start3A_514] : memref<131072x16xf32, #tpu.memory_space<hbm>> -> memref<131072x16xf32, #tpu.memory_space<hbm>>
    tpu.enqueue_indirect_dma source(%dma_start3A_509 : memref<128x16xf32, #tpu.memory_space<vmem>>) target(%dma_start3A_515 : memref<131072x16xf32, #tpu.memory_space<hbm>>) offsets(%dma_start3A_512 : memref<128xi32, #tpu.memory_space<vmem>>) semaphore(%arg9 : memref<!tpu.dma_semaphore, #tpu.memory_space<semaphore_mem>>)
    %dma_start3A_516 = arith.constant 16 : i32
    %dma_start3A_517 = arith.constant 16 : i32
    %dma_start3A_518 = arith.constant 0 : i32
    %dma_start3A_519 = arith.constant 0 : i32
    %dma_start3A_520 = tpu.memref_slice %arg8[%dma_start3A_516, %dma_start3A_518, %dma_start3A_519] : memref<26x128x16xf32, #tpu.memory_space<vmem>> -> memref<1x128x16xf32, #tpu.memory_space<vmem>>
    %dma_start3A_521 = tpu.memref_squeeze %dma_start3A_520 : memref<1x128x16xf32, #tpu.memory_space<vmem>> -> memref<128x16xf32, #tpu.memory_space<vmem>>
    %dma_start3A_522 = arith.constant 0 : i32
    %dma_start3A_523 = tpu.memref_slice %arg7[%dma_start3A_517, %dma_start3A_522] : memref<26x128xi32, #tpu.memory_space<vmem>> -> memref<1x128xi32, #tpu.memory_space<vmem>>
    %dma_start3A_524 = tpu.memref_squeeze %dma_start3A_523 : memref<1x128xi32, #tpu.memory_space<vmem>> -> memref<128xi32, #tpu.memory_space<vmem>>
    %dma_start3A_525 = arith.constant 0 : i32
    %dma_start3A_526 = arith.constant 0 : i32
    %dma_start3A_527 = tpu.memref_slice %arg5[%dma_start3A_525, %dma_start3A_526] : memref<131072x16xf32, #tpu.memory_space<hbm>> -> memref<131072x16xf32, #tpu.memory_space<hbm>>
    tpu.enqueue_indirect_dma source(%dma_start3A_521 : memref<128x16xf32, #tpu.memory_space<vmem>>) target(%dma_start3A_527 : memref<131072x16xf32, #tpu.memory_space<hbm>>) offsets(%dma_start3A_524 : memref<128xi32, #tpu.memory_space<vmem>>) semaphore(%arg9 : memref<!tpu.dma_semaphore, #tpu.memory_space<semaphore_mem>>)
    %dma_start3A_528 = arith.constant 17 : i32
    %dma_start3A_529 = arith.constant 17 : i32
    %dma_start3A_530 = arith.constant 0 : i32
    %dma_start3A_531 = arith.constant 0 : i32
    %dma_start3A_532 = tpu.memref_slice %arg8[%dma_start3A_528, %dma_start3A_530, %dma_start3A_531] : memref<26x128x16xf32, #tpu.memory_space<vmem>> -> memref<1x128x16xf32, #tpu.memory_space<vmem>>
    %dma_start3A_533 = tpu.memref_squeeze %dma_start3A_532 : memref<1x128x16xf32, #tpu.memory_space<vmem>> -> memref<128x16xf32, #tpu.memory_space<vmem>>
    %dma_start3A_534 = arith.constant 0 : i32
    %dma_start3A_535 = tpu.memref_slice %arg7[%dma_start3A_529, %dma_start3A_534] : memref<26x128xi32, #tpu.memory_space<vmem>> -> memref<1x128xi32, #tpu.memory_space<vmem>>
    %dma_start3A_536 = tpu.memref_squeeze %dma_start3A_535 : memref<1x128xi32, #tpu.memory_space<vmem>> -> memref<128xi32, #tpu.memory_space<vmem>>
    %dma_start3A_537 = arith.constant 0 : i32
    %dma_start3A_538 = arith.constant 0 : i32
    %dma_start3A_539 = tpu.memref_slice %arg5[%dma_start3A_537, %dma_start3A_538] : memref<131072x16xf32, #tpu.memory_space<hbm>> -> memref<131072x16xf32, #tpu.memory_space<hbm>>
    tpu.enqueue_indirect_dma source(%dma_start3A_533 : memref<128x16xf32, #tpu.memory_space<vmem>>) target(%dma_start3A_539 : memref<131072x16xf32, #tpu.memory_space<hbm>>) offsets(%dma_start3A_536 : memref<128xi32, #tpu.memory_space<vmem>>) semaphore(%arg9 : memref<!tpu.dma_semaphore, #tpu.memory_space<semaphore_mem>>)
    %dma_start3A_540 = arith.constant 18 : i32
    %dma_start3A_541 = arith.constant 18 : i32
    %dma_start3A_542 = arith.constant 0 : i32
    %dma_start3A_543 = arith.constant 0 : i32
    %dma_start3A_544 = tpu.memref_slice %arg8[%dma_start3A_540, %dma_start3A_542, %dma_start3A_543] : memref<26x128x16xf32, #tpu.memory_space<vmem>> -> memref<1x128x16xf32, #tpu.memory_space<vmem>>
    %dma_start3A_545 = tpu.memref_squeeze %dma_start3A_544 : memref<1x128x16xf32, #tpu.memory_space<vmem>> -> memref<128x16xf32, #tpu.memory_space<vmem>>
    %dma_start3A_546 = arith.constant 0 : i32
    %dma_start3A_547 = tpu.memref_slice %arg7[%dma_start3A_541, %dma_start3A_546] : memref<26x128xi32, #tpu.memory_space<vmem>> -> memref<1x128xi32, #tpu.memory_space<vmem>>
    %dma_start3A_548 = tpu.memref_squeeze %dma_start3A_547 : memref<1x128xi32, #tpu.memory_space<vmem>> -> memref<128xi32, #tpu.memory_space<vmem>>
    %dma_start3A_549 = arith.constant 0 : i32
    %dma_start3A_550 = arith.constant 0 : i32
    %dma_start3A_551 = tpu.memref_slice %arg5[%dma_start3A_549, %dma_start3A_550] : memref<131072x16xf32, #tpu.memory_space<hbm>> -> memref<131072x16xf32, #tpu.memory_space<hbm>>
    tpu.enqueue_indirect_dma source(%dma_start3A_545 : memref<128x16xf32, #tpu.memory_space<vmem>>) target(%dma_start3A_551 : memref<131072x16xf32, #tpu.memory_space<hbm>>) offsets(%dma_start3A_548 : memref<128xi32, #tpu.memory_space<vmem>>) semaphore(%arg9 : memref<!tpu.dma_semaphore, #tpu.memory_space<semaphore_mem>>)
    %dma_start3A_552 = arith.constant 19 : i32
    %dma_start3A_553 = arith.constant 19 : i32
    %dma_start3A_554 = arith.constant 0 : i32
    %dma_start3A_555 = arith.constant 0 : i32
    %dma_start3A_556 = tpu.memref_slice %arg8[%dma_start3A_552, %dma_start3A_554, %dma_start3A_555] : memref<26x128x16xf32, #tpu.memory_space<vmem>> -> memref<1x128x16xf32, #tpu.memory_space<vmem>>
    %dma_start3A_557 = tpu.memref_squeeze %dma_start3A_556 : memref<1x128x16xf32, #tpu.memory_space<vmem>> -> memref<128x16xf32, #tpu.memory_space<vmem>>
    %dma_start3A_558 = arith.constant 0 : i32
    %dma_start3A_559 = tpu.memref_slice %arg7[%dma_start3A_553, %dma_start3A_558] : memref<26x128xi32, #tpu.memory_space<vmem>> -> memref<1x128xi32, #tpu.memory_space<vmem>>
    %dma_start3A_560 = tpu.memref_squeeze %dma_start3A_559 : memref<1x128xi32, #tpu.memory_space<vmem>> -> memref<128xi32, #tpu.memory_space<vmem>>
    %dma_start3A_561 = arith.constant 0 : i32
    %dma_start3A_562 = arith.constant 0 : i32
    %dma_start3A_563 = tpu.memref_slice %arg5[%dma_start3A_561, %dma_start3A_562] : memref<131072x16xf32, #tpu.memory_space<hbm>> -> memref<131072x16xf32, #tpu.memory_space<hbm>>
    tpu.enqueue_indirect_dma source(%dma_start3A_557 : memref<128x16xf32, #tpu.memory_space<vmem>>) target(%dma_start3A_563 : memref<131072x16xf32, #tpu.memory_space<hbm>>) offsets(%dma_start3A_560 : memref<128xi32, #tpu.memory_space<vmem>>) semaphore(%arg9 : memref<!tpu.dma_semaphore, #tpu.memory_space<semaphore_mem>>)
    %dma_start3A_564 = arith.constant 20 : i32
    %dma_start3A_565 = arith.constant 20 : i32
    %dma_start3A_566 = arith.constant 0 : i32
    %dma_start3A_567 = arith.constant 0 : i32
    %dma_start3A_568 = tpu.memref_slice %arg8[%dma_start3A_564, %dma_start3A_566, %dma_start3A_567] : memref<26x128x16xf32, #tpu.memory_space<vmem>> -> memref<1x128x16xf32, #tpu.memory_space<vmem>>
    %dma_start3A_569 = tpu.memref_squeeze %dma_start3A_568 : memref<1x128x16xf32, #tpu.memory_space<vmem>> -> memref<128x16xf32, #tpu.memory_space<vmem>>
    %dma_start3A_570 = arith.constant 0 : i32
    %dma_start3A_571 = tpu.memref_slice %arg7[%dma_start3A_565, %dma_start3A_570] : memref<26x128xi32, #tpu.memory_space<vmem>> -> memref<1x128xi32, #tpu.memory_space<vmem>>
    %dma_start3A_572 = tpu.memref_squeeze %dma_start3A_571 : memref<1x128xi32, #tpu.memory_space<vmem>> -> memref<128xi32, #tpu.memory_space<vmem>>
    %dma_start3A_573 = arith.constant 0 : i32
    %dma_start3A_574 = arith.constant 0 : i32
    %dma_start3A_575 = tpu.memref_slice %arg5[%dma_start3A_573, %dma_start3A_574] : memref<131072x16xf32, #tpu.memory_space<hbm>> -> memref<131072x16xf32, #tpu.memory_space<hbm>>
    tpu.enqueue_indirect_dma source(%dma_start3A_569 : memref<128x16xf32, #tpu.memory_space<vmem>>) target(%dma_start3A_575 : memref<131072x16xf32, #tpu.memory_space<hbm>>) offsets(%dma_start3A_572 : memref<128xi32, #tpu.memory_space<vmem>>) semaphore(%arg9 : memref<!tpu.dma_semaphore, #tpu.memory_space<semaphore_mem>>)
    %dma_start3A_576 = arith.constant 21 : i32
    %dma_start3A_577 = arith.constant 21 : i32
    %dma_start3A_578 = arith.constant 0 : i32
    %dma_start3A_579 = arith.constant 0 : i32
    %dma_start3A_580 = tpu.memref_slice %arg8[%dma_start3A_576, %dma_start3A_578, %dma_start3A_579] : memref<26x128x16xf32, #tpu.memory_space<vmem>> -> memref<1x128x16xf32, #tpu.memory_space<vmem>>
    %dma_start3A_581 = tpu.memref_squeeze %dma_start3A_580 : memref<1x128x16xf32, #tpu.memory_space<vmem>> -> memref<128x16xf32, #tpu.memory_space<vmem>>
    %dma_start3A_582 = arith.constant 0 : i32
    %dma_start3A_583 = tpu.memref_slice %arg7[%dma_start3A_577, %dma_start3A_582] : memref<26x128xi32, #tpu.memory_space<vmem>> -> memref<1x128xi32, #tpu.memory_space<vmem>>
    %dma_start3A_584 = tpu.memref_squeeze %dma_start3A_583 : memref<1x128xi32, #tpu.memory_space<vmem>> -> memref<128xi32, #tpu.memory_space<vmem>>
    %dma_start3A_585 = arith.constant 0 : i32
    %dma_start3A_586 = arith.constant 0 : i32
    %dma_start3A_587 = tpu.memref_slice %arg5[%dma_start3A_585, %dma_start3A_586] : memref<131072x16xf32, #tpu.memory_space<hbm>> -> memref<131072x16xf32, #tpu.memory_space<hbm>>
    tpu.enqueue_indirect_dma source(%dma_start3A_581 : memref<128x16xf32, #tpu.memory_space<vmem>>) target(%dma_start3A_587 : memref<131072x16xf32, #tpu.memory_space<hbm>>) offsets(%dma_start3A_584 : memref<128xi32, #tpu.memory_space<vmem>>) semaphore(%arg9 : memref<!tpu.dma_semaphore, #tpu.memory_space<semaphore_mem>>)
    %dma_start3A_588 = arith.constant 22 : i32
    %dma_start3A_589 = arith.constant 22 : i32
    %dma_start3A_590 = arith.constant 0 : i32
    %dma_start3A_591 = arith.constant 0 : i32
    %dma_start3A_592 = tpu.memref_slice %arg8[%dma_start3A_588, %dma_start3A_590, %dma_start3A_591] : memref<26x128x16xf32, #tpu.memory_space<vmem>> -> memref<1x128x16xf32, #tpu.memory_space<vmem>>
    %dma_start3A_593 = tpu.memref_squeeze %dma_start3A_592 : memref<1x128x16xf32, #tpu.memory_space<vmem>> -> memref<128x16xf32, #tpu.memory_space<vmem>>
    %dma_start3A_594 = arith.constant 0 : i32
    %dma_start3A_595 = tpu.memref_slice %arg7[%dma_start3A_589, %dma_start3A_594] : memref<26x128xi32, #tpu.memory_space<vmem>> -> memref<1x128xi32, #tpu.memory_space<vmem>>
    %dma_start3A_596 = tpu.memref_squeeze %dma_start3A_595 : memref<1x128xi32, #tpu.memory_space<vmem>> -> memref<128xi32, #tpu.memory_space<vmem>>
    %dma_start3A_597 = arith.constant 0 : i32
    %dma_start3A_598 = arith.constant 0 : i32
    %dma_start3A_599 = tpu.memref_slice %arg5[%dma_start3A_597, %dma_start3A_598] : memref<131072x16xf32, #tpu.memory_space<hbm>> -> memref<131072x16xf32, #tpu.memory_space<hbm>>
    tpu.enqueue_indirect_dma source(%dma_start3A_593 : memref<128x16xf32, #tpu.memory_space<vmem>>) target(%dma_start3A_599 : memref<131072x16xf32, #tpu.memory_space<hbm>>) offsets(%dma_start3A_596 : memref<128xi32, #tpu.memory_space<vmem>>) semaphore(%arg9 : memref<!tpu.dma_semaphore, #tpu.memory_space<semaphore_mem>>)
    %dma_start3A_600 = arith.constant 23 : i32
    %dma_start3A_601 = arith.constant 23 : i32
    %dma_start3A_602 = arith.constant 0 : i32
    %dma_start3A_603 = arith.constant 0 : i32
    %dma_start3A_604 = tpu.memref_slice %arg8[%dma_start3A_600, %dma_start3A_602, %dma_start3A_603] : memref<26x128x16xf32, #tpu.memory_space<vmem>> -> memref<1x128x16xf32, #tpu.memory_space<vmem>>
    %dma_start3A_605 = tpu.memref_squeeze %dma_start3A_604 : memref<1x128x16xf32, #tpu.memory_space<vmem>> -> memref<128x16xf32, #tpu.memory_space<vmem>>
    %dma_start3A_606 = arith.constant 0 : i32
    %dma_start3A_607 = tpu.memref_slice %arg7[%dma_start3A_601, %dma_start3A_606] : memref<26x128xi32, #tpu.memory_space<vmem>> -> memref<1x128xi32, #tpu.memory_space<vmem>>
    %dma_start3A_608 = tpu.memref_squeeze %dma_start3A_607 : memref<1x128xi32, #tpu.memory_space<vmem>> -> memref<128xi32, #tpu.memory_space<vmem>>
    %dma_start3A_609 = arith.constant 0 : i32
    %dma_start3A_610 = arith.constant 0 : i32
    %dma_start3A_611 = tpu.memref_slice %arg5[%dma_start3A_609, %dma_start3A_610] : memref<131072x16xf32, #tpu.memory_space<hbm>> -> memref<131072x16xf32, #tpu.memory_space<hbm>>
    tpu.enqueue_indirect_dma source(%dma_start3A_605 : memref<128x16xf32, #tpu.memory_space<vmem>>) target(%dma_start3A_611 : memref<131072x16xf32, #tpu.memory_space<hbm>>) offsets(%dma_start3A_608 : memref<128xi32, #tpu.memory_space<vmem>>) semaphore(%arg9 : memref<!tpu.dma_semaphore, #tpu.memory_space<semaphore_mem>>)
    %dma_start3A_612 = arith.constant 24 : i32
    %dma_start3A_613 = arith.constant 24 : i32
    %dma_start3A_614 = arith.constant 0 : i32
    %dma_start3A_615 = arith.constant 0 : i32
    %dma_start3A_616 = tpu.memref_slice %arg8[%dma_start3A_612, %dma_start3A_614, %dma_start3A_615] : memref<26x128x16xf32, #tpu.memory_space<vmem>> -> memref<1x128x16xf32, #tpu.memory_space<vmem>>
    %dma_start3A_617 = tpu.memref_squeeze %dma_start3A_616 : memref<1x128x16xf32, #tpu.memory_space<vmem>> -> memref<128x16xf32, #tpu.memory_space<vmem>>
    %dma_start3A_618 = arith.constant 0 : i32
    %dma_start3A_619 = tpu.memref_slice %arg7[%dma_start3A_613, %dma_start3A_618] : memref<26x128xi32, #tpu.memory_space<vmem>> -> memref<1x128xi32, #tpu.memory_space<vmem>>
    %dma_start3A_620 = tpu.memref_squeeze %dma_start3A_619 : memref<1x128xi32, #tpu.memory_space<vmem>> -> memref<128xi32, #tpu.memory_space<vmem>>
    %dma_start3A_621 = arith.constant 0 : i32
    %dma_start3A_622 = arith.constant 0 : i32
    %dma_start3A_623 = tpu.memref_slice %arg5[%dma_start3A_621, %dma_start3A_622] : memref<131072x16xf32, #tpu.memory_space<hbm>> -> memref<131072x16xf32, #tpu.memory_space<hbm>>
    tpu.enqueue_indirect_dma source(%dma_start3A_617 : memref<128x16xf32, #tpu.memory_space<vmem>>) target(%dma_start3A_623 : memref<131072x16xf32, #tpu.memory_space<hbm>>) offsets(%dma_start3A_620 : memref<128xi32, #tpu.memory_space<vmem>>) semaphore(%arg9 : memref<!tpu.dma_semaphore, #tpu.memory_space<semaphore_mem>>)
    %dma_start3A_624 = arith.constant 25 : i32
    %dma_start3A_625 = arith.constant 25 : i32
    %dma_start3A_626 = arith.constant 0 : i32
    %dma_start3A_627 = arith.constant 0 : i32
    %dma_start3A_628 = tpu.memref_slice %arg8[%dma_start3A_624, %dma_start3A_626, %dma_start3A_627] : memref<26x128x16xf32, #tpu.memory_space<vmem>> -> memref<1x128x16xf32, #tpu.memory_space<vmem>>
    %dma_start3A_629 = tpu.memref_squeeze %dma_start3A_628 : memref<1x128x16xf32, #tpu.memory_space<vmem>> -> memref<128x16xf32, #tpu.memory_space<vmem>>
    %dma_start3A_630 = arith.constant 0 : i32
    %dma_start3A_631 = tpu.memref_slice %arg7[%dma_start3A_625, %dma_start3A_630] : memref<26x128xi32, #tpu.memory_space<vmem>> -> memref<1x128xi32, #tpu.memory_space<vmem>>
    %dma_start3A_632 = tpu.memref_squeeze %dma_start3A_631 : memref<1x128xi32, #tpu.memory_space<vmem>> -> memref<128xi32, #tpu.memory_space<vmem>>
    %dma_start3A_633 = arith.constant 0 : i32
    %dma_start3A_634 = arith.constant 0 : i32
    %dma_start3A_635 = tpu.memref_slice %arg5[%dma_start3A_633, %dma_start3A_634] : memref<131072x16xf32, #tpu.memory_space<hbm>> -> memref<131072x16xf32, #tpu.memory_space<hbm>>
    tpu.enqueue_indirect_dma source(%dma_start3A_629 : memref<128x16xf32, #tpu.memory_space<vmem>>) target(%dma_start3A_635 : memref<131072x16xf32, #tpu.memory_space<hbm>>) offsets(%dma_start3A_632 : memref<128xi32, #tpu.memory_space<vmem>>) semaphore(%arg9 : memref<!tpu.dma_semaphore, #tpu.memory_space<semaphore_mem>>)
    %scan3A_636 = arith.constant 0 : i32
    %scan3A_637 = arith.constant 0 : i32
    %scan3A_638 = arith.constant 26 : i32
    %scan3A_639 = arith.addi %scan3A_637, %scan3A_638 : i32
    %scan3A_640 = arith.constant 1 : i32
    scf.for %scan3A_642 = %scan3A_637 to %scan3A_639 step %scan3A_640  : i32 {
      %dma_wait3A = arith.constant 0 : i32
      %dma_wait3A_643 = arith.constant 0 : i32
      %dma_wait3A_644 = arith.constant 0 : i32
      %dma_wait3A_645 = arith.constant 0 : i32
      %dma_wait3A_646 = tpu.memref_slice %arg8[%dma_wait3A, %dma_wait3A_644, %dma_wait3A_645] : memref<26x128x16xf32, #tpu.memory_space<vmem>> -> memref<1x128x16xf32, #tpu.memory_space<vmem>>
      %dma_wait3A_647 = tpu.memref_squeeze %dma_wait3A_646 : memref<1x128x16xf32, #tpu.memory_space<vmem>> -> memref<128x16xf32, #tpu.memory_space<vmem>>
      %dma_wait3A_648 = arith.constant 0 : i32
      %dma_wait3A_649 = tpu.memref_slice %arg7[%dma_wait3A_643, %dma_wait3A_648] : memref<26x128xi32, #tpu.memory_space<vmem>> -> memref<1x128xi32, #tpu.memory_space<vmem>>
      %dma_wait3A_650 = tpu.memref_squeeze %dma_wait3A_649 : memref<1x128xi32, #tpu.memory_space<vmem>> -> memref<128xi32, #tpu.memory_space<vmem>>
      %dma_wait3A_651 = arith.constant 0 : i32
      %dma_wait3A_652 = arith.constant 0 : i32
      %dma_wait3A_653 = tpu.memref_slice %arg5[%dma_wait3A_651, %dma_wait3A_652] : memref<131072x16xf32, #tpu.memory_space<hbm>> -> memref<131072x16xf32, #tpu.memory_space<hbm>>
      tpu.wait_indirect_dma semaphore(%arg9 : memref<!tpu.dma_semaphore, #tpu.memory_space<semaphore_mem>>) src(%dma_wait3A_647 : memref<128x16xf32, #tpu.memory_space<vmem>>) dst(%dma_wait3A_653 : memref<131072x16xf32, #tpu.memory_space<hbm>>)
    }
    %scan3A_641 = arith.constant 26 : i32
    return
  }
}

</mosaic_0001>

<sc_bundles>
// kernel: _sc_gather.3.cloned.1.call-start
scs
__scs_entry_jumppad:
0x0: {  	(pc) =	sbr.rel $0x88, $3  }
0x1: {  	(tag) =	ssettag $0x0;
	lr =	simm.s32 $0x1  }
0x2: {  	[smem:$0x3F9E] =	sst lr;
	_ =	strace $0xD0000000  }
0x3: {  	_ = 	snop  }
0x4: {  	_ = 	snop  }
0x5: {  	_ = 	snop  }
0x6: {  	_ = 	snop  }
0x7: {  	_ = 	snop  }
__scs_overlays_trampoline_lowered:
0x8: {  	[smem:$0x3FAD] =	sst s0  }
0x9: {  	[smem:$0x3FAE] =	sst s1  }
0xa: {  	[smem:$0x3FAF] =	sst s2  }
0xb: {  	[smem:$0x3FB0] =	sst s3  }
0xc: {  	[smem:$0x3FB1] =	sst s4  }
0xd: {  	[smem:$0x3FB2] =	sst s5  }
0xe: {  	[smem:$0x3FB3] =	sst s6  }
0xf: {  	[smem:$0x3FB4] =	sst s7  }
0x10: {  	[smem:$0x3FB5] =	sst s8  }
0x11: {  	[smem:$0x3FB6] =	sst s9;
	s0 =	simm.s32 @!p0 $0x0  }
0x12: {  	s1 =	sld [smem:$0x3F9C];
	s0 =	simm.s32 @p0 $0x1  }
0x13: {  	[smem:$0x3FB7] =	sst s0;
	s0 =	simm.s32 @!p1 $0x0  }
0x14: {  	s2 =	sld [smem:$0x3F9B];
	s0 =	simm.s32 @p1 $0x1  }
0x15: {  	[smem:$0x3FB8] =	sst s0;
	s0 =	simm.s32 @!p2 $0x0  }
0x16: {  	s3 =	sld [smem:$0x3FDB];
	s0 =	simm.s32 @p2 $0x1  }
0x17: {  	s4 =	simm.s32 $0x1BF5;
	[smem:$0x3FBA] =	sst s0  }
0x18: {  	s0 =	sld [smem:$0x3F9D];
	_ =	swait.ge [sflag:s4], $0x0  }
0x19: {  	s7 =	sld [smem:$0x3F9E]  }
0x1a: {  	s8 =	sadd.s32 $0xFFFFE003, lr  }
0x1b: {  	s9 =	sadd.s32 $0xFFFFFEF7, lr;
	s5 =	simm.s32 $0xFFFFFFFF;
	p2 =	slt.u32 s8, $0xFFFFF086  }
0x1c: {  	p1 =	slt.u32 s9, $0xF7A;
	s5 =	simm.s32 @!p2 $0x0  }
0x1d: {  	s5 =	simm.s32 @p1 $0x1;
	p0 =	seq.s32 s7, s2  }
0x1e: {  	s7 =	smul.u32 @!p0 $0xF7A, s2;
	p2 =	seq.s32 @!p0 s5, $0x0  }
0x1f: {  	s9 =	smul.u32 $0xF7A, s1;
	s8 =	simm.s32 @!p0 $0x1BF5;
	p2 =	por !p2, p0  }
0x20: {  	[sflag:s8] =	ssyncset.s32 @!p0 $0xFFFFF086;
	s6 =	sadd.s32 @!p0 s3, s7;
	s7 =	simm.s32 @!p0 $0x108  }
0x21: {  	s3 =	sadd.s32 s3, s9;
	s6 =	sadd.s32 @!p0 $0x88, s6;
	s7 =	simm.s32 @p2 $0x1082  }
0x22: {  	[simem:s7], [sflag:s8] =	dma.local @!p0 [hbm:s6], $0xF7A  }
0x23: {  	s9 =	sor.u32 $0xD0000000, s2;
	s6 =	simm.s32 $0x108;
	_ =	swait.ge @!p0 [sflag:s8], $0x0  }
0x24: {  	s3 =	sadd.s32 $0x88, s3;
	s6 =	simm.s32 @!p1 $0x1082;
	[sflag:s4] =	ssyncset.s32 $0xFFFFF086  }
0x25: {  	[simem:s6], [sflag:s4] =	dma.local [hbm:s3], $0xF7A  }
0x26: {  	[smem:$0x3F9E] =	sst s1;
	(tag) =	ssettag s2;
	_ =	strace s9  }
0x27: {  	s1 =	sld [smem:$0x3FAE]  }
0x28: {  	s2 =	sld [smem:$0x3FAF]  }
0x29: {  	s4 =	sld [smem:$0x3FB1]  }
0x2a: {  	p0 =	seq.s32 s5, $0x0;
	s5 =	sld [smem:$0x3FB2]  }
0x2b: {  	s6 =	sld [smem:$0x3FB3]  }
0x2c: {  	s7 =	sld [smem:$0x3FB4]  }
0x2d: {  	s3 =	simm.s32 $0x108;
	s8 =	sld [smem:$0x3FB5]  }
0x2e: {  	s3 =	simm.s32 @!p0 $0x1082;
	s9 =	sld [smem:$0x3FB6]  }
0x2f: {  	lr =	sadd.s32 s0, s3;
	s0 =	sld [smem:$0x3FAD]  }
0x30: {  	s3 =	sld [smem:$0x3FB0]  }
0x31: {  	[smem:$0x3FB9] =	sst s10  }
0x32: {  	s10 =	sld [smem:$0x3FB7];
	_ =	sdelay $0x3  }
0x33: {  	p0 =	seq.s32 s10, $0x1;
	s10 =	sld [smem:$0x3FB9];
	_ =	sdelay $0x3  }
0x34: {  	[smem:$0x3FB9] =	sst s10  }
0x35: {  	s10 =	sld [smem:$0x3FB8];
	_ =	sdelay $0x3  }
0x36: {  	p1 =	seq.s32 s10, $0x1;
	s10 =	sld [smem:$0x3FB9];
	_ =	sdelay $0x3  }
0x37: {  	[smem:$0x3FB9] =	sst s10  }
0x38: {  	s10 =	sld [smem:$0x3FBA]  }
0x39: {  	_ = 	snop;
	(pc) =	sbr.ind lr, $3  }
0x3a: {  	_ = 	snop  }
0x3b: {  	_ = 	snop  }
0x3c: {  	p2 =	seq.s32 s10, $0x1;
	s10 =	sld [smem:$0x3FB9]  }
0x3d: {  	_ =	shalt  }
0x3e: {  	_ =	shalt  }
0x3f: {  	_ =	shalt  }
0x40: {  	_ =	shalt  }
0x41: {  	_ =	shalt  }
0x42: {  	_ =	shalt  }
0x43: {  	_ =	shalt  }
0x44: {  	_ =	shalt  }
0x45: {  	_ =	shalt  }
0x46: {  	_ =	shalt  }
0x47: {  	_ =	shalt  }
0x48: {  	_ =	shalt  }
0x49: {  	_ =	shalt  }
0x4a: {  	_ =	shalt  }
0x4b: {  	_ =	shalt  }
0x4c: {  	_ =	shalt  }
0x4d: {  	_ =	shalt  }
0x4e: {  	_ =	shalt  }
0x4f: {  	_ =	shalt  }
0x50: {  	_ =	shalt  }
0x51: {  	_ =	shalt  }
0x52: {  	_ =	shalt  }
0x53: {  	_ =	shalt  }
0x54: {  	_ =	shalt  }
0x55: {  	_ =	shalt  }
0x56: {  	_ =	shalt  }
0x57: {  	_ =	shalt  }
0x58: {  	_ =	shalt  }
0x59: {  	_ =	shalt  }
0x5a: {  	_ =	shalt  }
0x5b: {  	_ =	shalt  }
0x5c: {  	_ =	shalt  }
0x5d: {  	_ =	shalt  }
0x5e: {  	_ =	shalt  }
0x5f: {  	_ =	shalt  }
0x60: {  	_ =	shalt  }
0x61: {  	_ =	shalt  }
0x62: {  	_ =	shalt  }
0x63: {  	_ =	shalt  }
0x64: {  	_ =	shalt  }
0x65: {  	_ =	shalt  }
0x66: {  	_ =	shalt  }
0x67: {  	_ =	shalt  }
0x68: {  	_ =	shalt  }
0x69: {  	_ =	shalt  }
0x6a: {  	_ =	shalt  }
0x6b: {  	_ =	shalt  }
0x6c: {  	_ =	shalt  }
0x6d: {  	_ =	shalt  }
0x6e: {  	_ =	shalt  }
0x6f: {  	_ =	shalt  }
0x70: {  	_ =	shalt  }
0x71: {  	_ =	shalt  }
0x72: {  	_ =	shalt  }
0x73: {  	_ =	shalt  }
0x74: {  	_ =	shalt  }
0x75: {  	_ =	shalt  }
0x76: {  	_ =	shalt  }
0x77: {  	_ =	shalt  }
0x78: {  	_ =	shalt  }
0x79: {  	_ =	shalt  }
0x7a: {  	_ =	shalt  }
0x7b: {  	_ =	shalt  }
0x7c: {  	_ =	shalt  }
0x7d: {  	_ =	shalt  }
0x7e: {  	_ =	shalt  }
0x7f: {  	_ =	shalt  }
0x80: {  	_ =	shalt  }
0x81: {  	_ =	shalt  }
0x82: {  	_ =	shalt  }
0x83: {  	_ =	shalt  }
0x84: {  	_ =	shalt  }
0x85: {  	_ =	shalt  }
0x86: {  	_ =	shalt  }
0x87: {  	_ =	shalt  }
.Lfunc_end0:
.L_simem_size_0:
called_computation_lowered:
.L_overlay_start_0:
0x88: {  	s2 =	sld [smem:$0x3FD9]  }
0x89: {  	s3 =	sld [smem:$0x3FFE];
	_ =	sdelay $0x1  }
0x8a: {  	s1 =	srdreg.scid  }
0x8b: {  	s0 =	sand.u32 $0x1, s1  }
0x8c: {  	s17 =	sshll.u32 s0, $0xA;
	s2 =	sadd.s32 s3, s2  }
0x8d: {  	s2 =	sadd.s32 s2, s17  }
0x8e: {  	[smem:$0x3FC5] =	sst s2  }
0x8f: {  	_ = 	snop  }
0x90: {  	s2 =	sld [smem:$0x3FC8]  }
0x91: {  	s18 =	sld [smem:$0x3FD0];
	(tm) =	ssettm $0x1  }
0x92: {  	s4 =	sld [smem:$0x3FFB];
	_ =	sdelay $0x3  }
0x93: {  	_ =	strace s4  }
0x94: {  	s4 =	sld [smem:$0x3FFC];
	_ =	sdelay $0x3  }
0x95: {  	_ =	strace s4  }
0x96: {  	s4 =	sld [smem:$0x3FFD];
	_ =	sdelay $0x3  }
0x97: {  	_ =	strace s4  }
0x98: {  	_ =	strace $0x8FFFFFFF  }
0x99: {  	s19 =	sld [smem:$0x3FDB];
	_ =	sdelay $0x1  }
0x9a: {  	s5 =	simm.s32 $_scs_section_size  }
0x9b: {  	s6 =	simm.s32 $_size__tile_overlayer_lowered;
	s7 =	simm.s32 $_tile_overlayer_lowered  }
0x9c: {  	s22 =	simm.s32 $0x1BFF;
	s21 =	sshll.u32 s7, $0x1;
	s4 =	sadd.s32 s5, s19  }
0x9d: {  	s8 =	simm.s32 $0x0;
	s20 =	sshll.u32 s6, $0x1;
	s6 =	sadd.s32 s21, s4  }
0x9e: {  	[timem:s8], [sflag:s22] =	dma.local [hbm:s6], s20  }
0x9f: {  	_ =	swait.ge [sflag:s22], s20  }
0xa0: {  	s5 =	ssub.s32 $0x0, s20;
	[sflag:s22] =	ssyncset.done $0x0  }
0xa1: {  	[sflag:s22] =	ssyncadd.s32 s5;
	_ =	sdelay $0x1  }
0xa2: {  	s23 =	simm.s32 $0x1B8B  }
0xa3: {  	_ =	swait.ge [sflag:s23], $0x1  }
0xa4: {  	[sflag:s23] =	ssyncset.done $0x0  }
0xa5: {  	s25 =	simm.s32 $0x1B8E;
	s24 =	sld [smem:$0x3FFE];
	[sflag:s23] =	ssyncadd.s32 $0xFFFFFFFF  }
0xa6: {  	s26 =	simm.s32 $execute0_lowered;
	[smem:$0x3FD2] =	sst s25  }
0xa7: {  	s6 =	sshll.u32 s26, $0x1;
	_ =	strace $0x80000046;
	[dreg:$0x1] =	wrdreg $0xFFFFFFFF  }
0xa8: {  	s28 =	simm.s32 $_size_execute0_lowered;
	s4 =	sadd.s32 s4, s6;
	[dreg:$0x0] =	wrdreg $0x0  }
0xa9: {  	s6 =	sshll.u32 s28, $0x1;
	[dreg:$0x2] =	wrdreg s4  }
0xaa: {  	[dreg:$0x3] =	wrdreg s6  }
0xab: {  	[dreg:$0x4] =	wrdreg $0xC0  }
0xac: {  	_ =	task [dreg:s8], $0x5FFFF  }
0xad: {  	[dreg:$0x1] =	wrdreg $0xFFFFFFFF  }
0xae: {  	[dreg:$0x0] =	wrdreg $0x60  }
0xaf: {  	[dreg:$0x2] =	wrdreg s24  }
0xb0: {  	[dreg:$0x3] =	wrdreg s2  }
0xb1: {  	[dreg:$0x4] =	wrdreg s18  }
0xb2: {  	[dreg:$0x5] =	wrdreg $0x9  }
0xb3: {  	_ =	task.clear_ibuf [dreg:s8], $0x6FFFF;
	_ =	strace $0x90000046  }
0xb4: {  	s29 =	simm.s32 $0x9;
	_ =	strace $0x80000048  }
0xb5: {  	_ =	swait.ge [sflag:s29], $0x1  }
0xb6: {  	[sflag:s29] =	ssyncadd.s32 $0xFFFFFFFF  }
0xb7: {  	_ =	strace $0x90000048  }
0xb8: {  	_ =	sfence  }
0xb9: {  	s30 =	sld [smem:$0x0];
	_ =	sdelay $0x2  }
0xba: {  	s31 =	sshll.u32 s1, $0xD;
	s1 =	sshrl.u32 s1, $0x2  }
0xbb: {  	s3 =	sand.u32 $0x4000, s31;
	s1 =	sadd.s32 s1, s30  }
0xbc: {  	s0 =	sor.u32 s3, s0;
	s1 =	sshll.u32 s1, $0x11  }
0xbd: {  	s0 =	sor.u32 s1, s0  }
0xbe: {  	s0 =	sadd.s32 $0x8F2B, s0  }
0xbf: {  	[sflag:s0] =	ssyncadd.remote.s32 $0x1  }
0xc0: {  	_ =	sfence.sel $0xFFFF  }
0xc1: {  	[dreg:$0x0] =	wrdreg $0xFFFFFFFF;
	(pc) =	sbr.abs _section_cstart, $3  }
0xc2: {  	[dreg:$0x1] =	wrdreg $0xFFFFFFFF  }
0xc3: {  	_ =	task.clear_ibuf [dreg:s8], $0x2FFFF;
	_ =	strace $0x9FFFFFFF  }
0xc4: {  	(tm) =	ssettm $0x7FFFFFFF  }
0xc5: {  	_ =	shalt  }
tec
execute0_lowered:
.L_overlay_start_1:
0x0: {  	(tag) =	ssettag $0x1  }
0x1: {  	s0 =	rddreg [dreg:$0x0];
	s1 =	srdreg.scid  }
0x2: {  	s2 =	stileid.u32;
	s3 =	rddreg [dreg:$0x2]  }
0x3: {  	s4 =	simm.s32 $0x0;
	s16 =	simm.s32 $0xD00;
	s10 =	simm.s32 $0x80  }
0x4: {  	s12 =	simm.s32 $0x1;
	s20 =	simm.s32 $0x2A00;
	s22 =	simm.s32 $0x3200  }
0x5: {  	s24 =	simm.s32 $0x3A00;
	s29 =	simm.s32 $0x4A00;
	s31 =	simm.s32 $0x5200  }
0x6: {  	s17 =	simm.s32 $0x6A00;
	s21 =	simm.s32 $0x7200;
	s30 =	simm.s32 $0x8200  }
0x7: {  	s19 =	simm.s32 $0x9200;
	s28 =	simm.s32 $0x9A00;
	s15 =	simm.s32 $0xA200  }
0x8: {  	s23 =	simm.s32 $0xB200;
	s1 =	sand.u32 $0x1, s1;
	s2 =	sshll.u32 s2, $0x1  }
0x9: {  	s9 =	simm.s32 $0xBA00;
	s11 =	simm.s32 $0xCA00;
	s2 =	sor.u32 s1, s2  }
0xa: {  	s8 =	simm.s32 $0xDA00;
	[smem:$0x7FF] =	sst s4;
	s5 =	smul.u32 $0x1A0, s2  }
0xb: {  	_ =	strace $0x80000047;
	s1 =	ssub.s32 $0x2, s1;
	s7 =	sshll.u32 s2, $0xC  }
0xc: {  	s25 =	sshrl.u32 s1, $0x1;
	v0 =	vmov s7;
	s7 =	simm.s32 $0x0;
	s6 =	sadd.s32 s5, s0  }
0xd: {  	s5 =	sadd.s32 $0x1000600, s0;
	s0 =	ssub.s32 s1, s25;
	s26 =	sadd.s32 $0x600, s6  }
0xe: {  	s25 =	simm.s32 $0x7A00;
	s0 =	smax.u32 s0, $0x1;
	[dreg:$0x4] =	wrdreg s26  }
0xf: {  	s6 =	simm.s32 $0xC200;
	[dreg:$0x5] =	wrdreg s0;
	s26 =	simm.s32 $0x4200  }
.LBB2_1:
0x10: {  	s14 =	rddreg [dreg:$0x4];
	s0 =	simm.s32 $0x2  }
0x11: {  	[tilespmem:s4], [sflag:$0x2] =	stream.linear.gather [hbm4b:s14+s4], $0xD00, $0x38;
	[tilespmem:$0xEA00] =	vst v63  }
0x12: {  	_ =	swait.ge [sflag:s0], $0xD00  }
0x13: {  	[sflag:s0] =	ssyncset.done $0x0  }
0x14: {  	[sflag:s0] =	ssyncadd.s32 $0xFFFFF300  }
0x15: {  	s18 =	rddreg [dreg:$0x1]  }
0x16: {  	[tilespmem:s16], [sflag:$0x2] =	stream.linear.gather [hbm4b:s18+s4], $0xD00, $0x38;
	[tilespmem:$0xEA00] =	vst v63  }
0x17: {  	_ =	swait.ge [sflag:s0], $0xD00  }
0x18: {  	[sflag:s0] =	ssyncset.done $0x0  }
0x19: {  	s14 =	simm.s32 $0x0;
	s16 =	simm.s32 $0x40;
	[sflag:s0] =	ssyncadd.s32 $0xFFFFF300  }
.LBB2_2:
0x1a: {  	p0 =	sne.s32 s16, $0x33C0;
	v1 =	vld [tilespmem:s14+$0x0];
	_ =	sdelay $0x1  }
0x1b: {  	v2 =	vld [tilespmem:s14+$0xD00];
	_ =	sdelay $0x2  }
.Ltmp0:
0x1c: {  	v3 =	vshll.u32 v1, $0x3;
	(pc) =	sbr.rel @p0 .LBB2_2-.Ltmp0, $4  }
0x1d: {  	v4 =	vand.u32 $0xFFFFFC00, v1;
	v1 =	vshrl.u32 v1, $0x7;
	v3 =	vand.u32 $0x3F8, v3  }
0x1e: {  	v1 =	vand.u32 $0x7, v1;
	v3 =	vor.u32 v4, v3;
	v2 =	vadd.s32 v0, v2  }
0x1f: {  	v1 =	vor.u32 v1, v3;
	[tilespmem:s14+$0xD00] =	vst v2  }
0x20: {  	[tilespmem:s14+$0x0] =	vst v1;
	s14 =	sshra.s32 s16, $0x2;
	s16 =	sadd.s32 $0x40, s16  }
0x21: {  	v1 =	vld [tilespmem:s14+$0x0];
	_ =	sdelay $0x1  }
0x22: {  	v2 =	vld [tilespmem:s14+$0xD00];
	_ =	sdelay $0x2  }
0x23: {  	v3 =	vshll.u32 v1, $0x3  }
0x24: {  	v4 =	vand.u32 $0xFFFFFC00, v1;
	v1 =	vshrl.u32 v1, $0x7;
	v3 =	vand.u32 $0x3F8, v3  }
0x25: {  	v2 =	vadd.s32 v0, v2;
	v1 =	vand.u32 $0x7, v1;
	v3 =	vor.u32 v4, v3  }
0x26: {  	[tilespmem:s14+$0xD00] =	vst v2;
	v1 =	vor.u32 v1, v3  }
0x27: {  	s18 =	simm.s32 $0x1A00;
	[tilespmem:s14+$0x0] =	vst v1  }
0x28: {  	[tilespmem:s18], [sflag:$0x1] =	stream.indirect.gather [hbm4b:s5+s10], $0x10, s4, s10, $0xb8;
	[tilespmem:$0xEA00] =	vst v63  }
0x29: {  	s0 =	simm.s32 $0x2200  }
0x2a: {  	[tilespmem:s0], [sflag:$0x1] =	stream.indirect.gather [hbm4b:s5+s10], $0x10, s10, s10, $0xb8;
	[tilespmem:$0xEA00] =	vst v63  }
0x2b: {  	s16 =	simm.s32 $0x100  }
0x2c: {  	[tilespmem:s20], [sflag:$0x1] =	stream.indirect.gather [hbm4b:s5+s10], $0x10, s16, s10, $0xb8;
	[tilespmem:$0xEA00] =	vst v63  }
0x2d: {  	s4 =	simm.s32 $0x180  }
0x2e: {  	[tilespmem:s22], [sflag:$0x1] =	stream.indirect.gather [hbm4b:s5+s10], $0x10, s4, s10, $0xb8;
	[tilespmem:$0xEA00] =	vst v63  }
0x2f: {  	s13 =	simm.s32 $0x200  }
0x30: {  	[tilespmem:s24], [sflag:$0x1] =	stream.indirect.gather [hbm4b:s5+s10], $0x10, s13, s10, $0xb8;
	[tilespmem:$0xEA00] =	vst v63  }
0x31: {  	s14 =	simm.s32 $0x280  }
0x32: {  	[tilespmem:s26], [sflag:$0x1] =	stream.indirect.gather [hbm4b:s5+s10], $0x10, s14, s10, $0xb8;
	[tilespmem:$0xEA00] =	vst v63  }
0x33: {  	s0 =	simm.s32 $0x300  }
0x34: {  	[tilespmem:s29], [sflag:$0x1] =	stream.indirect.gather [hbm4b:s5+s10], $0x10, s0, s10, $0xb8;
	[tilespmem:$0xEA00] =	vst v63  }
0x35: {  	s1 =	simm.s32 $0x380  }
0x36: {  	[tilespmem:s31], [sflag:$0x1] =	stream.indirect.gather [hbm4b:s5+s10], $0x10, s1, s10, $0xb8;
	[tilespmem:$0xEA00] =	vst v63  }
0x37: {  	s2 =	simm.s32 $0x400;
	s14 =	simm.s32 $0x5A00  }
0x38: {  	[tilespmem:s14], [sflag:$0x1] =	stream.indirect.gather [hbm4b:s5+s10], $0x10, s2, s10, $0xb8;
	[tilespmem:$0xEA00] =	vst v63  }
0x39: {  	s4 =	simm.s32 $0x480;
	s13 =	simm.s32 $0x6200  }
0x3a: {  	[tilespmem:s13], [sflag:$0x1] =	stream.indirect.gather [hbm4b:s5+s10], $0x10, s4, s10, $0xb8;
	[tilespmem:$0xEA00] =	vst v63  }
0x3b: {  	s0 =	simm.s32 $0x500  }
0x3c: {  	[tilespmem:s17], [sflag:$0x1] =	stream.indirect.gather [hbm4b:s5+s10], $0x10, s0, s10, $0xb8;
	[tilespmem:$0xEA00] =	vst v63  }
0x3d: {  	s1 =	simm.s32 $0x580  }
0x3e: {  	[tilespmem:s21], [sflag:$0x1] =	stream.indirect.gather [hbm4b:s5+s10], $0x10, s1, s10, $0xb8;
	[tilespmem:$0xEA00] =	vst v63  }
0x3f: {  	s2 =	simm.s32 $0x600  }
0x40: {  	[tilespmem:s25], [sflag:$0x1] =	stream.indirect.gather [hbm4b:s5+s10], $0x10, s2, s10, $0xb8;
	[tilespmem:$0xEA00] =	vst v63  }
0x41: {  	s4 =	simm.s32 $0x680  }
0x42: {  	[tilespmem:s30], [sflag:$0x1] =	stream.indirect.gather [hbm4b:s5+s10], $0x10, s4, s10, $0xb8;
	[tilespmem:$0xEA00] =	vst v63  }
0x43: {  	s0 =	simm.s32 $0x700;
	s2 =	simm.s32 $0x8A00  }
0x44: {  	[tilespmem:s2], [sflag:$0x1] =	stream.indirect.gather [hbm4b:s5+s10], $0x10, s0, s10, $0xb8;
	[tilespmem:$0xEA00] =	vst v63  }
0x45: {  	s1 =	simm.s32 $0x780  }
0x46: {  	[tilespmem:s19], [sflag:$0x1] =	stream.indirect.gather [hbm4b:s5+s10], $0x10, s1, s10, $0xb8;
	[tilespmem:$0xEA00] =	vst v63  }
0x47: {  	s4 =	simm.s32 $0x800  }
0x48: {  	[tilespmem:s28], [sflag:$0x1] =	stream.indirect.gather [hbm4b:s5+s10], $0x10, s4, s10, $0xb8;
	[tilespmem:$0xEA00] =	vst v63  }
0x49: {  	s0 =	simm.s32 $0x880  }
0x4a: {  	[tilespmem:s15], [sflag:$0x1] =	stream.indirect.gather [hbm4b:s5+s10], $0x10, s0, s10, $0xb8;
	[tilespmem:$0xEA00] =	vst v63  }
0x4b: {  	s1 =	simm.s32 $0x900;
	s4 =	simm.s32 $0xAA00  }
0x4c: {  	[tilespmem:s4], [sflag:$0x1] =	stream.indirect.gather [hbm4b:s5+s10], $0x10, s1, s10, $0xb8;
	[tilespmem:$0xEA00] =	vst v63  }
0x4d: {  	s0 =	simm.s32 $0x980  }
0x4e: {  	[tilespmem:s23], [sflag:$0x1] =	stream.indirect.gather [hbm4b:s5+s10], $0x10, s0, s10, $0xb8;
	[tilespmem:$0xEA00] =	vst v63  }
0x4f: {  	s1 =	simm.s32 $0xA00  }
0x50: {  	[tilespmem:s9], [sflag:$0x1] =	stream.indirect.gather [hbm4b:s5+s10], $0x10, s1, s10, $0xb8;
	[tilespmem:$0xEA00] =	vst v63  }
0x51: {  	s4 =	simm.s32 $0xA80  }
0x52: {  	[tilespmem:s6], [sflag:$0x1] =	stream.indirect.gather [hbm4b:s5+s10], $0x10, s4, s10, $0xb8;
	[tilespmem:$0xEA00] =	vst v63  }
0x53: {  	s0 =	simm.s32 $0xB00  }
0x54: {  	[tilespmem:s11], [sflag:$0x1] =	stream.indirect.gather [hbm4b:s5+s10], $0x10, s0, s10, $0xb8;
	[tilespmem:$0xEA00] =	vst v63  }
0x55: {  	s1 =	simm.s32 $0xB80;
	s4 =	simm.s32 $0xD200  }
0x56: {  	[tilespmem:s4], [sflag:$0x1] =	stream.indirect.gather [hbm4b:s5+s10], $0x10, s1, s10, $0xb8;
	[tilespmem:$0xEA00] =	vst v63  }
0x57: {  	s0 =	simm.s32 $0xC00  }
0x58: {  	[tilespmem:s8], [sflag:$0x1] =	stream.indirect.gather [hbm4b:s5+s10], $0x10, s0, s10, $0xb8;
	[tilespmem:$0xEA00] =	vst v63  }
0x59: {  	s1 =	simm.s32 $0xC80;
	s0 =	simm.s32 $0xE200  }
0x5a: {  	[tilespmem:s0], [sflag:$0x1] =	stream.indirect.gather [hbm4b:s5+s10], $0x10, s1, s10, $0xb8;
	[tilespmem:$0xEA00] =	vst v63  }
0x5b: {  	_ =	swait.ge [sflag:s12], $0x800  }
0x5c: {  	[sflag:s12] =	ssyncset.done $0x0  }
0x5d: {  	[sflag:s12] =	ssyncadd.s32 $0xFFFFF800  }
0x5e: {  	_ =	swait.ge [sflag:s12], $0x800  }
0x5f: {  	[sflag:s12] =	ssyncset.done $0x0  }
0x60: {  	[sflag:s12] =	ssyncadd.s32 $0xFFFFF800  }
0x61: {  	_ =	swait.ge [sflag:s12], $0x800  }
0x62: {  	[sflag:s12] =	ssyncset.done $0x0  }
0x63: {  	[sflag:s12] =	ssyncadd.s32 $0xFFFFF800  }
0x64: {  	_ =	swait.ge [sflag:s12], $0x800  }
0x65: {  	[sflag:s12] =	ssyncset.done $0x0  }
0x66: {  	[sflag:s12] =	ssyncadd.s32 $0xFFFFF800  }
0x67: {  	_ =	swait.ge [sflag:s12], $0x800  }
0x68: {  	[sflag:s12] =	ssyncset.done $0x0  }
0x69: {  	[sflag:s12] =	ssyncadd.s32 $0xFFFFF800  }
0x6a: {  	_ =	swait.ge [sflag:s12], $0x800  }
0x6b: {  	[sflag:s12] =	ssyncset.done $0x0  }
0x6c: {  	[sflag:s12] =	ssyncadd.s32 $0xFFFFF800  }
0x6d: {  	_ =	swait.ge [sflag:s12], $0x800  }
0x6e: {  	[sflag:s12] =	ssyncset.done $0x0  }
0x6f: {  	[sflag:s12] =	ssyncadd.s32 $0xFFFFF800  }
0x70: {  	_ =	swait.ge [sflag:s12], $0x800  }
0x71: {  	[sflag:s12] =	ssyncset.done $0x0  }
0x72: {  	[sflag:s12] =	ssyncadd.s32 $0xFFFFF800  }
0x73: {  	_ =	swait.ge [sflag:s12], $0x800  }
0x74: {  	[sflag:s12] =	ssyncset.done $0x0  }
0x75: {  	[sflag:s12] =	ssyncadd.s32 $0xFFFFF800  }
0x76: {  	_ =	swait.ge [sflag:s12], $0x800  }
0x77: {  	[sflag:s12] =	ssyncset.done $0x0  }
0x78: {  	[sflag:s12] =	ssyncadd.s32 $0xFFFFF800  }
0x79: {  	_ =	swait.ge [sflag:s12], $0x800  }
0x7a: {  	[sflag:s12] =	ssyncset.done $0x0  }
0x7b: {  	[sflag:s12] =	ssyncadd.s32 $0xFFFFF800  }
0x7c: {  	_ =	swait.ge [sflag:s12], $0x800  }
0x7d: {  	[sflag:s12] =	ssyncset.done $0x0  }
0x7e: {  	[sflag:s12] =	ssyncadd.s32 $0xFFFFF800  }
0x7f: {  	_ =	swait.ge [sflag:s12], $0x800  }
0x80: {  	[sflag:s12] =	ssyncset.done $0x0  }
0x81: {  	[sflag:s12] =	ssyncadd.s32 $0xFFFFF800  }
0x82: {  	_ =	swait.ge [sflag:s12], $0x800  }
0x83: {  	[sflag:s12] =	ssyncset.done $0x0  }
0x84: {  	[sflag:s12] =	ssyncadd.s32 $0xFFFFF800  }
0x85: {  	_ =	swait.ge [sflag:s12], $0x800  }
0x86: {  	[sflag:s12] =	ssyncset.done $0x0  }
0x87: {  	[sflag:s12] =	ssyncadd.s32 $0xFFFFF800  }
0x88: {  	_ =	swait.ge [sflag:s12], $0x800  }
0x89: {  	[sflag:s12] =	ssyncset.done $0x0  }
0x8a: {  	[sflag:s12] =	ssyncadd.s32 $0xFFFFF800  }
0x8b: {  	_ =	swait.ge [sflag:s12], $0x800  }
0x8c: {  	[sflag:s12] =	ssyncset.done $0x0  }
0x8d: {  	[sflag:s12] =	ssyncadd.s32 $0xFFFFF800  }
0x8e: {  	_ =	swait.ge [sflag:s12], $0x800  }
0x8f: {  	[sflag:s12] =	ssyncset.done $0x0  }
0x90: {  	[sflag:s12] =	ssyncadd.s32 $0xFFFFF800  }
0x91: {  	_ =	swait.ge [sflag:s12], $0x800  }
0x92: {  	[sflag:s12] =	ssyncset.done $0x0  }
0x93: {  	[sflag:s12] =	ssyncadd.s32 $0xFFFFF800  }
0x94: {  	_ =	swait.ge [sflag:s12], $0x800  }
0x95: {  	[sflag:s12] =	ssyncset.done $0x0  }
0x96: {  	[sflag:s12] =	ssyncadd.s32 $0xFFFFF800  }
0x97: {  	_ =	swait.ge [sflag:s12], $0x800  }
0x98: {  	[sflag:s12] =	ssyncset.done $0x0  }
0x99: {  	[sflag:s12] =	ssyncadd.s32 $0xFFFFF800  }
0x9a: {  	_ =	swait.ge [sflag:s12], $0x800  }
0x9b: {  	[sflag:s12] =	ssyncset.done $0x0  }
0x9c: {  	[sflag:s12] =	ssyncadd.s32 $0xFFFFF800  }
0x9d: {  	_ =	swait.ge [sflag:s12], $0x800  }
0x9e: {  	[sflag:s12] =	ssyncset.done $0x0  }
0x9f: {  	[sflag:s12] =	ssyncadd.s32 $0xFFFFF800  }
0xa0: {  	_ =	swait.ge [sflag:s12], $0x800  }
0xa1: {  	[sflag:s12] =	ssyncset.done $0x0  }
0xa2: {  	[sflag:s12] =	ssyncadd.s32 $0xFFFFF800  }
0xa3: {  	_ =	swait.ge [sflag:s12], $0x800  }
0xa4: {  	[sflag:s12] =	ssyncset.done $0x0  }
0xa5: {  	[sflag:s12] =	ssyncadd.s32 $0xFFFFF800  }
0xa6: {  	_ =	swait.ge [sflag:s12], $0x800  }
0xa7: {  	[sflag:s12] =	ssyncset.done $0x0  }
0xa8: {  	s16 =	simm.s32 $0xD00;
	[sflag:s12] =	ssyncadd.s32 $0xFFFFF800  }
0xa9: {  	[hbm4b:s3+s10] =	stream.indirect.scatter [tilespmem:s18], [sflag:$0x1], $0x10, s16, s10, $0xb8;
	[tilespmem:$0xEA00] =	vst v63  }
0xaa: {  	s1 =	simm.s32 $0x2200;
	s18 =	simm.s32 $0xD80  }
0xab: {  	[hbm4b:s3+s10] =	stream.indirect.scatter [tilespmem:s1], [sflag:$0x1], $0x10, s18, s10, $0xb8;
	[tilespmem:$0xEA00] =	vst v63  }
0xac: {  	s1 =	simm.s32 $0xE00  }
0xad: {  	[hbm4b:s3+s10] =	stream.indirect.scatter [tilespmem:s20], [sflag:$0x1], $0x10, s1, s10, $0xb8;
	[tilespmem:$0xEA00] =	vst v63  }
0xae: {  	s1 =	simm.s32 $0xE80  }
0xaf: {  	[hbm4b:s3+s10] =	stream.indirect.scatter [tilespmem:s22], [sflag:$0x1], $0x10, s1, s10, $0xb8;
	[tilespmem:$0xEA00] =	vst v63  }
0xb0: {  	s1 =	simm.s32 $0xF00  }
0xb1: {  	[hbm4b:s3+s10] =	stream.indirect.scatter [tilespmem:s24], [sflag:$0x1], $0x10, s1, s10, $0xb8;
	[tilespmem:$0xEA00] =	vst v63  }
0xb2: {  	s1 =	simm.s32 $0xF80  }
0xb3: {  	[hbm4b:s3+s10] =	stream.indirect.scatter [tilespmem:s26], [sflag:$0x1], $0x10, s1, s10, $0xb8;
	[tilespmem:$0xEA00] =	vst v63  }
0xb4: {  	s1 =	simm.s32 $0x1000  }
0xb5: {  	[hbm4b:s3+s10] =	stream.indirect.scatter [tilespmem:s29], [sflag:$0x1], $0x10, s1, s10, $0xb8;
	[tilespmem:$0xEA00] =	vst v63  }
0xb6: {  	s1 =	simm.s32 $0x1080  }
0xb7: {  	[hbm4b:s3+s10] =	stream.indirect.scatter [tilespmem:s31], [sflag:$0x1], $0x10, s1, s10, $0xb8;
	[tilespmem:$0xEA00] =	vst v63  }
0xb8: {  	s1 =	simm.s32 $0x1100  }
0xb9: {  	[hbm4b:s3+s10] =	stream.indirect.scatter [tilespmem:s14], [sflag:$0x1], $0x10, s1, s10, $0xb8;
	[tilespmem:$0xEA00] =	vst v63  }
0xba: {  	s18 =	simm.s32 $0x1180  }
0xbb: {  	[hbm4b:s3+s10] =	stream.indirect.scatter [tilespmem:s13], [sflag:$0x1], $0x10, s18, s10, $0xb8;
	[tilespmem:$0xEA00] =	vst v63  }
0xbc: {  	s1 =	simm.s32 $0x1200  }
0xbd: {  	[hbm4b:s3+s10] =	stream.indirect.scatter [tilespmem:s17], [sflag:$0x1], $0x10, s1, s10, $0xb8;
	[tilespmem:$0xEA00] =	vst v63  }
0xbe: {  	s14 =	simm.s32 $0x1280  }
0xbf: {  	[hbm4b:s3+s10] =	stream.indirect.scatter [tilespmem:s21], [sflag:$0x1], $0x10, s14, s10, $0xb8;
	[tilespmem:$0xEA00] =	vst v63  }
0xc0: {  	s18 =	simm.s32 $0x1300  }
0xc1: {  	[hbm4b:s3+s10] =	stream.indirect.scatter [tilespmem:s25], [sflag:$0x1], $0x10, s18, s10, $0xb8;
	[tilespmem:$0xEA00] =	vst v63  }
0xc2: {  	s1 =	simm.s32 $0x1380  }
0xc3: {  	[hbm4b:s3+s10] =	stream.indirect.scatter [tilespmem:s30], [sflag:$0x1], $0x10, s1, s10, $0xb8;
	[tilespmem:$0xEA00] =	vst v63  }
0xc4: {  	s14 =	simm.s32 $0x1400  }
0xc5: {  	[hbm4b:s3+s10] =	stream.indirect.scatter [tilespmem:s2], [sflag:$0x1], $0x10, s14, s10, $0xb8;
	[tilespmem:$0xEA00] =	vst v63  }
0xc6: {  	s18 =	simm.s32 $0x1480  }
0xc7: {  	[hbm4b:s3+s10] =	stream.indirect.scatter [tilespmem:s19], [sflag:$0x1], $0x10, s18, s10, $0xb8;
	[tilespmem:$0xEA00] =	vst v63  }
0xc8: {  	s1 =	simm.s32 $0x1500  }
0xc9: {  	[hbm4b:s3+s10] =	stream.indirect.scatter [tilespmem:s28], [sflag:$0x1], $0x10, s1, s10, $0xb8;
	[tilespmem:$0xEA00] =	vst v63  }
0xca: {  	s13 =	simm.s32 $0x1580  }
0xcb: {  	[hbm4b:s3+s10] =	stream.indirect.scatter [tilespmem:s15], [sflag:$0x1], $0x10, s13, s10, $0xb8;
	[tilespmem:$0xEA00] =	vst v63  }
0xcc: {  	s14 =	simm.s32 $0x1600;
	s18 =	simm.s32 $0xAA00  }
0xcd: {  	[hbm4b:s3+s10] =	stream.indirect.scatter [tilespmem:s18], [sflag:$0x1], $0x10, s14, s10, $0xb8;
	[tilespmem:$0xEA00] =	vst v63  }
0xce: {  	s2 =	simm.s32 $0x1680  }
0xcf: {  	[hbm4b:s3+s10] =	stream.indirect.scatter [tilespmem:s23], [sflag:$0x1], $0x10, s2, s10, $0xb8;
	[tilespmem:$0xEA00] =	vst v63  }
0xd0: {  	s13 =	simm.s32 $0x1700  }
0xd1: {  	[hbm4b:s3+s10] =	stream.indirect.scatter [tilespmem:s9], [sflag:$0x1], $0x10, s13, s10, $0xb8;
	[tilespmem:$0xEA00] =	vst v63  }
0xd2: {  	s14 =	simm.s32 $0x1780  }
0xd3: {  	[hbm4b:s3+s10] =	stream.indirect.scatter [tilespmem:s6], [sflag:$0x1], $0x10, s14, s10, $0xb8;
	[tilespmem:$0xEA00] =	vst v63  }
0xd4: {  	s18 =	simm.s32 $0x1800  }
0xd5: {  	[hbm4b:s3+s10] =	stream.indirect.scatter [tilespmem:s11], [sflag:$0x1], $0x10, s18, s10, $0xb8;
	[tilespmem:$0xEA00] =	vst v63  }
0xd6: {  	s2 =	simm.s32 $0x1880  }
0xd7: {  	[hbm4b:s3+s10] =	stream.indirect.scatter [tilespmem:s4], [sflag:$0x1], $0x10, s2, s10, $0xb8;
	[tilespmem:$0xEA00] =	vst v63  }
0xd8: {  	s13 =	simm.s32 $0x1900  }
0xd9: {  	[hbm4b:s3+s10] =	stream.indirect.scatter [tilespmem:s8], [sflag:$0x1], $0x10, s13, s10, $0xb8;
	[tilespmem:$0xEA00] =	vst v63  }
0xda: {  	s14 =	simm.s32 $0x1980  }
0xdb: {  	[hbm4b:s3+s10] =	stream.indirect.scatter [tilespmem:s0], [sflag:$0x1], $0x10, s14, s10, $0xb8;
	[tilespmem:$0xEA00] =	vst v63  }
0xdc: {  	_ =	swait.ge [sflag:s12], $0x800  }
0xdd: {  	[sflag:s12] =	ssyncset.done $0x0  }
0xde: {  	[sflag:s12] =	ssyncadd.s32 $0xFFFFF800  }
0xdf: {  	_ =	swait.ge [sflag:s12], $0x800  }
0xe0: {  	[sflag:s12] =	ssyncset.done $0x0  }
0xe1: {  	[sflag:s12] =	ssyncadd.s32 $0xFFFFF800  }
0xe2: {  	_ =	swait.ge [sflag:s12], $0x800  }
0xe3: {  	[sflag:s12] =	ssyncset.done $0x0  }
0xe4: {  	[sflag:s12] =	ssyncadd.s32 $0xFFFFF800  }
0xe5: {  	_ =	swait.ge [sflag:s12], $0x800  }
0xe6: {  	[sflag:s12] =	ssyncset.done $0x0  }
0xe7: {  	[sflag:s12] =	ssyncadd.s32 $0xFFFFF800  }
0xe8: {  	_ =	swait.ge [sflag:s12], $0x800  }
0xe9: {  	[sflag:s12] =	ssyncset.done $0x0  }
0xea: {  	[sflag:s12] =	ssyncadd.s32 $0xFFFFF800  }
0xeb: {  	_ =	swait.ge [sflag:s12], $0x800  }
0xec: {  	[sflag:s12] =	ssyncset.done $0x0  }
0xed: {  	[sflag:s12] =	ssyncadd.s32 $0xFFFFF800  }
0xee: {  	_ =	swait.ge [sflag:s12], $0x800  }
0xef: {  	[sflag:s12] =	ssyncset.done $0x0  }
0xf0: {  	[sflag:s12] =	ssyncadd.s32 $0xFFFFF800  }
0xf1: {  	_ =	swait.ge [sflag:s12], $0x800  }
0xf2: {  	[sflag:s12] =	ssyncset.done $0x0  }
0xf3: {  	[sflag:s12] =	ssyncadd.s32 $0xFFFFF800  }
0xf4: {  	_ =	swait.ge [sflag:s12], $0x800  }
0xf5: {  	[sflag:s12] =	ssyncset.done $0x0  }
0xf6: {  	[sflag:s12] =	ssyncadd.s32 $0xFFFFF800  }
0xf7: {  	_ =	swait.ge [sflag:s12], $0x800  }
0xf8: {  	[sflag:s12] =	ssyncset.done $0x0  }
0xf9: {  	[sflag:s12] =	ssyncadd.s32 $0xFFFFF800  }
0xfa: {  	_ =	swait.ge [sflag:s12], $0x800  }
0xfb: {  	[sflag:s12] =	ssyncset.done $0x0  }
0xfc: {  	[sflag:s12] =	ssyncadd.s32 $0xFFFFF800  }
0xfd: {  	_ =	swait.ge [sflag:s12], $0x800  }
0xfe: {  	[sflag:s12] =	ssyncset.done $0x0  }
0xff: {  	[sflag:s12] =	ssyncadd.s32 $0xFFFFF800  }
0x100: {  	_ =	swait.ge [sflag:s12], $0x800  }
0x101: {  	[sflag:s12] =	ssyncset.done $0x0  }
0x102: {  	[sflag:s12] =	ssyncadd.s32 $0xFFFFF800  }
0x103: {  	_ =	swait.ge [sflag:s12], $0x800  }
0x104: {  	[sflag:s12] =	ssyncset.done $0x0  }
0x105: {  	[sflag:s12] =	ssyncadd.s32 $0xFFFFF800  }
0x106: {  	_ =	swait.ge [sflag:s12], $0x800  }
0x107: {  	[sflag:s12] =	ssyncset.done $0x0  }
0x108: {  	[sflag:s12] =	ssyncadd.s32 $0xFFFFF800  }
0x109: {  	_ =	swait.ge [sflag:s12], $0x800  }
0x10a: {  	[sflag:s12] =	ssyncset.done $0x0  }
0x10b: {  	[sflag:s12] =	ssyncadd.s32 $0xFFFFF800  }
0x10c: {  	_ =	swait.ge [sflag:s12], $0x800  }
0x10d: {  	[sflag:s12] =	ssyncset.done $0x0  }
0x10e: {  	[sflag:s12] =	ssyncadd.s32 $0xFFFFF800  }
0x10f: {  	_ =	swait.ge [sflag:s12], $0x800  }
0x110: {  	[sflag:s12] =	ssyncset.done $0x0  }
0x111: {  	[sflag:s12] =	ssyncadd.s32 $0xFFFFF800  }
0x112: {  	_ =	swait.ge [sflag:s12], $0x800  }
0x113: {  	[sflag:s12] =	ssyncset.done $0x0  }
0x114: {  	[sflag:s12] =	ssyncadd.s32 $0xFFFFF800  }
0x115: {  	_ =	swait.ge [sflag:s12], $0x800  }
0x116: {  	[sflag:s12] =	ssyncset.done $0x0  }
0x117: {  	[sflag:s12] =	ssyncadd.s32 $0xFFFFF800  }
0x118: {  	_ =	swait.ge [sflag:s12], $0x800  }
0x119: {  	[sflag:s12] =	ssyncset.done $0x0  }
0x11a: {  	[sflag:s12] =	ssyncadd.s32 $0xFFFFF800  }
0x11b: {  	_ =	swait.ge [sflag:s12], $0x800  }
0x11c: {  	[sflag:s12] =	ssyncset.done $0x0  }
0x11d: {  	[sflag:s12] =	ssyncadd.s32 $0xFFFFF800  }
0x11e: {  	_ =	swait.ge [sflag:s12], $0x800  }
0x11f: {  	[sflag:s12] =	ssyncset.done $0x0  }
0x120: {  	[sflag:s12] =	ssyncadd.s32 $0xFFFFF800  }
0x121: {  	_ =	swait.ge [sflag:s12], $0x800  }
0x122: {  	[sflag:s12] =	ssyncset.done $0x0  }
0x123: {  	[sflag:s12] =	ssyncadd.s32 $0xFFFFF800  }
0x124: {  	_ =	swait.ge [sflag:s12], $0x800  }
0x125: {  	[sflag:s12] =	ssyncset.done $0x0  }
0x126: {  	[sflag:s12] =	ssyncadd.s32 $0xFFFFF800  }
0x127: {  	_ =	swait.ge [sflag:s12], $0x800  }
0x128: {  	s7 =	sadd.s32 $0x1, s7;
	s18 =	rddreg [dreg:$0x5]  }
0x129: {  	p0 =	sne.s32 s7, s18  }
.Ltmp1:
0x12a: {  	_ = 	snop;
	(pc) =	sbr.rel @p0 .LBB2_1-.Ltmp1, $3  }
0x12b: {  	_ =	sdelay $0x1  }
0x12c: {  	[sflag:s12] =	ssyncset.done $0x0  }
0x12d: {  	s4 =	simm.s32 $0x0;
	[sflag:s12] =	ssyncadd.s32 $0xFFFFF800  }
0x12e: {  	_ =	sfence.sel $0x180000  }
0x12f: {  	[bflag:$0x0] =	sbarrier.arrive $0xFFFF  }
0x130: {  	_ =	strace $0x90000047  }
0x131: {  	s0 =	stileid.u32;
	[bflag:$0x2] =	sbarrier.arrive $0xFFFF  }
0x132: {  	p0 =	sne.s32 s0, $0x0;
	s0 =	rddreg [dreg:$0x3]  }
0x133: {  	s0 =	sadd.s32 @!p0 $0x100000, s0  }
0x134: {  	[sflag:s0] =	ssyncadd.tile.s32 @!p0 $0x1;
	_ =	shalt  }
.Lfunc_end2:
_tile_overlayer_lowered:
.L_overlay_start_2:
0x135: {  	(tag) =	ssettag $0x2  }
0x136: {  	s0 =	rddreg [dreg:$0x0];
	s2 =	stileid.u32  }
0x137: {  	s1 =	rddreg [dreg:$0x1];
	p0 =	sne.s32 s2, $0x0  }
0x138: {  	s3 =	rddreg [dreg:$0x2];
	[bflag:$0x3] =	sbarrier.arrive $0xFFFF;
	s2 =	simm.s32 @!p0 $0x1C02  }
0x139: {  	[timem:s3], [sflag:s2] =	dma.local @!p0 [hbm:s0], s1  }
0x13a: {  	s0 =	simm.s32 @!p0 $0x2  }
0x13b: {  	_ =	swait.ge @!p0 [sflag:s0], s1  }
0x13c: {  	s1 =	ssub.s32 @!p0 $0x0, s1;
	[sflag:s0] =	ssyncset.done @!p0 $0x0  }
0x13d: {  	[sflag:s0] =	ssyncadd.s32 @!p0 s1  }
0x13e: {  	[bflag:$0x3] =	sbarrier.arrive $0xFFFF  }
0x13f: {  	_ =	shalt  }

</sc_bundles>
